<compile_context>
chip_gen: v7x
topology: tpu7x:2x2x1
jax: 0.10.2.dev20260603
libtpu: 0.0.44.dev20260713+nightly
codegen_flags: <defaults>
</compile_context>

<pallas_src>
import functools

import jax
import jax.numpy as jnp
from jax import lax
from jax.experimental import pallas as pl
from jax.experimental.pallas import tpu as pltpu
from jax.experimental.pallas import tpu_sc as plsc

_N = 10000
_E = 160000
_D = 256
_HALF = 128

_NSUB = 16
_NCORE = 2
_CH = 128
_NCHUNK = 80
_EP = _NSUB * _NCHUNK * _CH
_RPS = 632
_NPAD = _RPS * _NSUB

_BN_SCALE = 1.0 / (1.0 + 1e-5) ** 0.5




def _sc_body(srcs2, dstp, x2, zeros, out, sidx, didx, rows0, rows1, shared,
             semg0, semg1):
    c = lax.axis_index("c")
    s = lax.axis_index("s")
    r0 = s * _RPS
    pltpu.sync_copy(zeros.at[pl.ds(r0, _RPS)], shared.at[pl.ds(r0, _RPS)])
    plsc.subcore_barrier()

    hb = _NCHUNK // 2
    for h in range(2):
        pltpu.sync_copy(
            srcs2.at[pl.ds((c * _NSUB + s) * _NCHUNK + h * hb, hb)], sidx)
        pltpu.sync_copy(dstp.at[pl.ds(s * _NCHUNK + h * hb, hb)], didx)
        pltpu.async_copy(x2.at[sidx.at[0]], rows0, semg0)

        def pair(p, carry):
            j = 2 * p
            pltpu.async_copy(x2.at[sidx.at[j + 1]], rows1, semg1)
            pltpu.make_async_copy(x2.at[sidx.at[j]], rows0, semg0).wait()
            pltpu.sync_copy(rows0, shared.at[didx.at[j]], add=True)
            pltpu.async_copy(x2.at[sidx.at[j + 2]], rows0, semg0)
            pltpu.make_async_copy(x2.at[sidx.at[j + 1]], rows1, semg1).wait()
            pltpu.sync_copy(rows1, shared.at[didx.at[j + 1]], add=True)
            return carry

        lax.fori_loop(0, hb // 2 - 1, pair, 0)
        pltpu.async_copy(x2.at[sidx.at[hb - 1]], rows1, semg1)
        pltpu.make_async_copy(x2.at[sidx.at[hb - 2]], rows0, semg0).wait()
        pltpu.sync_copy(rows0, shared.at[didx.at[hb - 2]], add=True)
        pltpu.make_async_copy(x2.at[sidx.at[hb - 1]], rows1, semg1).wait()
        pltpu.sync_copy(rows1, shared.at[didx.at[hb - 1]], add=True)

    plsc.subcore_barrier()
    pltpu.sync_copy(shared.at[pl.ds(r0, _RPS)],
                    out.at[pl.ds(c * _NPAD + r0, _RPS)])


@functools.partial(jax.jit, static_argnums=())
def _sc_segment_sum(srcs2, dstp, x2, zeros):
    k = pl.kernel(
        _sc_body,
        out_type=jax.ShapeDtypeStruct((_NCORE * _NPAD, _HALF), jnp.float32),
        mesh=plsc.VectorSubcoreMesh(core_axis_name="c", subcore_axis_name="s"),
        scratch_types=[
            pltpu.VMEM((_NCHUNK // 2, _CH), jnp.int32),
            pltpu.VMEM((_NCHUNK // 2, _CH), jnp.int32),
            pltpu.VMEM((_CH, _HALF), jnp.float32),
            pltpu.VMEM((_CH, _HALF), jnp.float32),
            pltpu.VMEM_SHARED((_NPAD, _HALF), jnp.float32),
            pltpu.SemaphoreType.DMA,
            pltpu.SemaphoreType.DMA,
        ],
    )
    return k(srcs2, dstp, x2, zeros)



_BLK = 1000


def _pre_body(x_ref, w_ref, o_ref):
    o_ref[...] = jnp.dot(x_ref[...], w_ref[...],
                         preferred_element_type=jnp.float32)


def _pre_acc_body(x_ref, w_ref, a_ref, o_ref):
    o_ref[...] = a_ref[...] + jnp.dot(x_ref[...], w_ref[...],
                                      preferred_element_type=jnp.float32)


def _pre(x, w, acc=None):
    dout = w.shape[1]
    grid = (_N // _BLK,)
    in_specs = [
        pl.BlockSpec((_BLK, _D), lambda i: (i, 0)),
        pl.BlockSpec((_D, dout), lambda i: (0, 0)),
    ]
    args = [x, w]
    body = _pre_body
    if acc is not None:
        in_specs.append(pl.BlockSpec((_BLK, dout), lambda i: (i, 0)))
        args.append(acc)
        body = _pre_acc_body
    return pl.pallas_call(
        body,
        grid=grid,
        in_specs=in_specs,
        out_specs=pl.BlockSpec((_BLK, dout), lambda i: (i, 0)),
        out_shape=jax.ShapeDtypeStruct((_N, dout), jnp.float32),
    )(*args)


def _mlp_body(xw1_ref, alo_ref, ahi_ref, w1_ref, b1_ref, g_ref, be_ref,
              w2_ref, b2_ref, o_ref):
    a = jnp.concatenate([alo_ref[...], ahi_ref[...]], axis=1)
    t = xw1_ref[...] + jnp.dot(a, w1_ref[...],
                               preferred_element_type=jnp.float32)
    t = (t + b1_ref[...]) * (g_ref[...] * _BN_SCALE) + be_ref[...]
    t = jnp.maximum(t, 0.0)
    t = jnp.dot(t, w2_ref[...], preferred_element_type=jnp.float32)
    o_ref[...] = jnp.maximum(t + b2_ref[...], 0.0)


def _mlp(xw1, alo, ahi, w1, b1, g, be, w2, b2):
    grid = (_N // _BLK,)
    return pl.pallas_call(
        _mlp_body,
        grid=grid,
        in_specs=[
            pl.BlockSpec((_BLK, _D), lambda i: (i, 0)),
            pl.BlockSpec((_BLK, _HALF), lambda i: (i, 0)),
            pl.BlockSpec((_BLK, _HALF), lambda i: (i, 0)),
            pl.BlockSpec((_D, _D), lambda i: (0, 0)),
            pl.BlockSpec((1, _D), lambda i: (0, 0)),
            pl.BlockSpec((1, _D), lambda i: (0, 0)),
            pl.BlockSpec((1, _D), lambda i: (0, 0)),
            pl.BlockSpec((_D, _D), lambda i: (0, 0)),
            pl.BlockSpec((1, _D), lambda i: (0, 0)),
        ],
        out_specs=pl.BlockSpec((_BLK, _D), lambda i: (i, 0)),
        out_shape=jax.ShapeDtypeStruct((_N, _D), jnp.float32),
    )(xw1, alo, ahi, w1, b1.reshape(1, _D), g.reshape(1, _D),
      be.reshape(1, _D), w2, b2.reshape(1, _D))


def _head_body(hp_ref, h3_ref, w1c_ref, b1_ref, w2_ref, b2_ref, o_ref):
    t = hp_ref[...] + jnp.dot(h3_ref[...], w1c_ref[...],
                              preferred_element_type=jnp.float32)
    t = jnp.maximum(t + b1_ref[...], 0.0)
    o = jnp.dot(t, w2_ref[...], preferred_element_type=jnp.float32)
    o = o + b2_ref[...]
    m = jnp.max(o, axis=1, keepdims=True)
    lse = jnp.log(jnp.sum(jnp.exp(o - m), axis=1, keepdims=True)) + m
    o_ref[...] = o - lse


def _head(hp, h3, w1c, b1, w2, b2):
    grid = (_N // _BLK,)
    dcat = 3 * _D
    dout = w2.shape[1]
    return pl.pallas_call(
        _head_body,
        grid=grid,
        in_specs=[
            pl.BlockSpec((_BLK, dcat), lambda i: (i, 0)),
            pl.BlockSpec((_BLK, _D), lambda i: (i, 0)),
            pl.BlockSpec((_D, dcat), lambda i: (0, 0)),
            pl.BlockSpec((1, dcat), lambda i: (0, 0)),
            pl.BlockSpec((dcat, dout), lambda i: (0, 0)),
            pl.BlockSpec((1, dout), lambda i: (0, 0)),
        ],
        out_specs=pl.BlockSpec((_BLK, dout), lambda i: (i, 0)),
        out_shape=jax.ShapeDtypeStruct((_N, dout), jnp.float32),
    )(hp, h3, w1c, b1.reshape(1, dcat), w2, b2.reshape(1, dout))




def kernel(x, edge_index, batch, c1_w1, c1_b1, c1_g, c1_be, c1_w2, c1_b2,
           c2_w1, c2_b1, c2_g, c2_be, c2_w2, c2_b2,
           c3_w1, c3_b1, c3_g, c3_be, c3_w2, c3_b2,
           lin1_w, lin1_b, lin2_w, lin2_b):
    src = edge_index[0]
    dst = edge_index[1]
    pad = _EP - _E
    src2 = 2 * src
    srcs2 = jnp.concatenate([
        src2, jnp.zeros((pad,), jnp.int32),
        src2 + 1, jnp.zeros((pad,), jnp.int32),
    ]).reshape(2 * _EP // _CH, _CH)
    dstp = jnp.concatenate(
        [dst, jnp.full((pad,), _N, jnp.int32)]).reshape(_EP // _CH, _CH)
    zeros = jnp.zeros((_NPAD, _HALF), jnp.float32)

    def gin(h, w1, b1, g, be, w2, b2):
        xw1 = _pre(h, w1)
        agg = _sc_segment_sum(srcs2, dstp, h.reshape(2 * _N, _HALF), zeros)
        alo = agg[:_N]
        ahi = agg[_NPAD:_NPAD + _N]
        return _mlp(xw1, alo, ahi, w1, b1, g, be, w2, b2)

    h1 = gin(x, c1_w1, c1_b1, c1_g, c1_be, c1_w2, c1_b2)
    h2 = gin(h1, c2_w1, c2_b1, c2_g, c2_be, c2_w2, c2_b2)
    hp1 = _pre(h1, lin1_w[:_D])
    hp12 = _pre(h2, lin1_w[_D:2 * _D], acc=hp1)
    h3 = gin(h2, c3_w1, c3_b1, c3_g, c3_be, c3_w2, c3_b2)
    return _head(hp12, h3, lin1_w[2 * _D:], lin1_b, lin2_w, lin2_b)

# --- scband reference (transcript-rebuilt; emitter-appended) ---
"""Pipeline reference for scband-gin-88227218195285 (READ-ONLY COPY).

The authoritative reference and input builder live on the scoring server;
editing this copy changes nothing except your own understanding.
"""

import jax, jax.numpy as jnp
import numpy as np

N = 10000
E = 160000
DIN = 256
DH = 256
DOUT = 128


def setup_inputs(seed: int = 0) -> dict:
    key = jax.random.key(seed)
    ks = jax.random.split(key, 32)
    inp = {}
    inp["x"] = jax.random.normal(ks[0], (N, DIN), dtype=jnp.float32)
    inp["edge_index"] = jax.random.randint(ks[1], (2, E), 0, N, dtype=jnp.int32)
    inp["batch"] = jnp.zeros((N,), dtype=jnp.int32)

    def lin(k, fi, fo):
        s = 1.0 / np.sqrt(fi)
        kw, kb = jax.random.split(k)
        w = jax.random.uniform(kw, (fi, fo), minval=-s, maxval=s, dtype=jnp.float32)
        b = jax.random.uniform(kb, (fo,), minval=-s, maxval=s, dtype=jnp.float32)
        return w, b

    dims_in = [DIN, DH, DH]
    for i in range(3):
        w1, b1 = lin(ks[2 + i * 3], dims_in[i], DH)
        w2, b2 = lin(ks[3 + i * 3], DH, DH)
        inp[f"c{i+1}_w1"] = w1
        inp[f"c{i+1}_b1"] = b1
        inp[f"c{i+1}_g"] = jnp.ones((DH,), dtype=jnp.float32)
        inp[f"c{i+1}_be"] = jnp.zeros((DH,), dtype=jnp.float32)
        inp[f"c{i+1}_w2"] = w2
        inp[f"c{i+1}_b2"] = b2
    w, b = lin(ks[12], 3 * DH, 3 * DH)
    inp["lin1_w"] = w
    inp["lin1_b"] = b
    w, b = lin(ks[13], 3 * DH, DOUT)
    inp["lin2_w"] = w
    inp["lin2_b"] = b
    return inp


def _bn_eval(h, g, b):
    # BatchNorm1d in eval mode with fresh running stats (mean=0, var=1)
    return h / jnp.sqrt(1.0 + 1e-5) * g + b


def _gin_conv(x, src, dst, w1, b1, g, be, w2, b2):
    # GINConv (eps=0): nn((1+eps)*x + sum_{j in N(i)} x_j)
    agg = jax.ops.segment_sum(x[src], dst, num_segments=x.shape[0])
    h = x + agg
    h = jnp.maximum(_bn_eval(h @ w1 + b1, g, be), 0.0)
    h = jnp.maximum(h @ w2 + b2, 0.0)
    return h


def reference(x, edge_index, batch, c1_w1, c1_b1, c1_g, c1_be, c1_w2, c1_b2, c2_w1, c2_b1, c2_g, c2_be, c2_w2, c2_b2, c3_w1, c3_b1, c3_g, c3_be, c3_w2, c3_b2, lin1_w, lin1_b, lin2_w, lin2_b):
    src = edge_index[0]
    dst = edge_index[1]
    h1 = _gin_conv(x, src, dst, c1_w1, c1_b1, c1_g, c1_be, c1_w2, c1_b2)
    h2 = _gin_conv(h1, src, dst, c2_w1, c2_b1, c2_g, c2_be, c2_w2, c2_b2)
    h3 = _gin_conv(h2, src, dst, c3_w1, c3_b1, c3_g, c3_be, c3_w2, c3_b2)
    h = jnp.concatenate([h1, h2, h3], axis=1)
    h = jnp.maximum(h @ lin1_w + lin1_b, 0.0)
    # dropout p=0.5 is identity in eval mode
    h = h @ lin2_w + lin2_b
    return jax.nn.log_softmax(h, axis=1)

if __name__ == "__main__":
    import jax
    _d = setup_inputs()
    print(jax.jit(kernel)(*tuple(_d.values())))

</pallas_src>

<mosaic_0001>
#map = affine_map<(d0, d1) -> (0, 0)>
module attributes {stable_mosaic.version = 14 : i64} {
  func.func @_sc_body(%arg0: i32, %arg1: i32, %arg2: memref<2560x128xi32, #tpu.memory_space<hbm>>, %arg3: memref<1280x128xi32, #tpu.memory_space<hbm>>, %arg4: memref<20000x128xf32, #tpu.memory_space<hbm>>, %arg5: memref<10112x128xf32, #tpu.memory_space<hbm>>, %arg6: memref<20224x128xf32, #tpu.memory_space<hbm>>, %arg7: memref<40x128xi32, #tpu.memory_space<vmem>>, %arg8: memref<40x128xi32, #tpu.memory_space<vmem>>, %arg9: memref<128x128xf32, #tpu.memory_space<vmem>>, %arg10: memref<128x128xf32, #tpu.memory_space<vmem>>, %arg11: memref<10112x128xf32, #tpu.memory_space<vmem_shared>>, %arg12: memref<!tpu.dma_semaphore, #tpu.memory_space<semaphore_mem>>, %arg13: memref<!tpu.dma_semaphore, #tpu.memory_space<semaphore_mem>>) attributes {dimension_semantics = [#tpu.dimension_semantics<core_parallel>, #tpu.dimension_semantics<subcore_parallel>], iteration_bounds = array<i64: 2, 16>, scalar_prefetch = 0 : i64, scratch_operands = 7 : i64, tpu.core_type = #tpu.core_type<sc_vector_subcore>, window_params = [{transform_indices = #map}, {transform_indices = #map}, {transform_indices = #map}, {transform_indices = #map}, {transform_indices = #map}]} {
    %mul3A = arith.constant 632 : i32
    %mul3A_0 = arith.muli %arg1, %mul3A : i32
    "tpu.region"() ({
      %run_scoped3A_94 = tpu.sem_alloc : memref<!tpu.dma_semaphore, #tpu.memory_space<semaphore_mem>>
      %dma_start3A_95 = arith.constant 0 : i32
      %dma_start3A_96 = tpu.memref_slice %arg11[%mul3A_0, %dma_start3A_95] : memref<10112x128xf32, #tpu.memory_space<vmem_shared>> -> memref<632x128xf32, #tpu.memory_space<vmem_shared>>
      %dma_start3A_97 = arith.constant 0 : i32
      %dma_start3A_98 = tpu.memref_slice %arg5[%mul3A_0, %dma_start3A_97] : memref<10112x128xf32, #tpu.memory_space<hbm>> -> memref<632x128xf32, #tpu.memory_space<hbm>>
      tpu.enqueue_dma source(%dma_start3A_98 : memref<632x128xf32, #tpu.memory_space<hbm>>) target(%dma_start3A_96 : memref<632x128xf32, #tpu.memory_space<vmem_shared>>) target_semaphore(%run_scoped3A_94 : memref<!tpu.dma_semaphore, #tpu.memory_space<semaphore_mem>>)
      %dma_wait3A_99 = arith.constant 0 : i32
      %dma_wait3A_100 = tpu.memref_slice %arg11[%mul3A_0, %dma_wait3A_99] : memref<10112x128xf32, #tpu.memory_space<vmem_shared>> -> memref<632x128xf32, #tpu.memory_space<vmem_shared>>
      %dma_wait3A_101 = arith.constant 0 : i32
      %dma_wait3A_102 = tpu.memref_slice %arg5[%mul3A_0, %dma_wait3A_101] : memref<10112x128xf32, #tpu.memory_space<hbm>> -> memref<632x128xf32, #tpu.memory_space<hbm>>
      tpu.wait_dma2 semaphore(%run_scoped3A_94 : memref<!tpu.dma_semaphore, #tpu.memory_space<semaphore_mem>>) src(%dma_wait3A_102 : memref<632x128xf32, #tpu.memory_space<hbm>>) dst(%dma_wait3A_100 : memref<632x128xf32, #tpu.memory_space<vmem_shared>>)
      tpu.yield
    }) : () -> ()
    %barrier3A = arith.constant 0 : index
    tpu.barrier barrier_id(%barrier3A)
    %mul3A_1 = arith.constant 16 : i32
    %mul3A_2 = arith.muli %arg0, %mul3A_1 : i32
    %add3A = arith.addi %mul3A_2, %arg1 : i32
    %mul3A_3 = arith.constant 80 : i32
    %mul3A_4 = arith.muli %add3A, %mul3A_3 : i32
    %add3A_5 = arith.constant 0 : i32
    %add3A_6 = arith.addi %mul3A_4, %add3A_5 : i32
    "tpu.region"() ({
      %run_scoped3A_94 = tpu.sem_alloc : memref<!tpu.dma_semaphore, #tpu.memory_space<semaphore_mem>>
      %dma_start3A_95 = arith.constant 0 : i32
      %dma_start3A_96 = tpu.memref_slice %arg2[%add3A_6, %dma_start3A_95] : memref<2560x128xi32, #tpu.memory_space<hbm>> -> memref<40x128xi32, #tpu.memory_space<hbm>>
      %dma_start3A_97 = arith.constant 0 : i32
      %dma_start3A_98 = tpu.memref_slice %arg2[%add3A_6, %dma_start3A_97] : memref<2560x128xi32, #tpu.memory_space<hbm>> -> memref<40x128xi32, #tpu.memory_space<hbm>>
      tpu.enqueue_dma source(%dma_start3A_98 : memref<40x128xi32, #tpu.memory_space<hbm>>) target(%arg7 : memref<40x128xi32, #tpu.memory_space<vmem>>) target_semaphore(%run_scoped3A_94 : memref<!tpu.dma_semaphore, #tpu.memory_space<semaphore_mem>>)
      %dma_wait3A_99 = arith.constant 0 : i32
      %dma_wait3A_100 = tpu.memref_slice %arg2[%add3A_6, %dma_wait3A_99] : memref<2560x128xi32, #tpu.memory_space<hbm>> -> memref<40x128xi32, #tpu.memory_space<hbm>>
      %dma_wait3A_101 = arith.constant 0 : i32
      %dma_wait3A_102 = tpu.memref_slice %arg2[%add3A_6, %dma_wait3A_101] : memref<2560x128xi32, #tpu.memory_space<hbm>> -> memref<40x128xi32, #tpu.memory_space<hbm>>
      tpu.wait_dma2 semaphore(%run_scoped3A_94 : memref<!tpu.dma_semaphore, #tpu.memory_space<semaphore_mem>>) src(%dma_wait3A_102 : memref<40x128xi32, #tpu.memory_space<hbm>>) dst(%arg7 : memref<40x128xi32, #tpu.memory_space<vmem>>)
      tpu.yield
    }) : () -> ()
    %mul3A_7 = arith.constant 80 : i32
    %mul3A_8 = arith.muli %arg1, %mul3A_7 : i32
    %add3A_9 = arith.constant 0 : i32
    %add3A_10 = arith.addi %mul3A_8, %add3A_9 : i32
    "tpu.region"() ({
      %run_scoped3A_94 = tpu.sem_alloc : memref<!tpu.dma_semaphore, #tpu.memory_space<semaphore_mem>>
      %dma_start3A_95 = arith.constant 0 : i32
      %dma_start3A_96 = tpu.memref_slice %arg3[%add3A_10, %dma_start3A_95] : memref<1280x128xi32, #tpu.memory_space<hbm>> -> memref<40x128xi32, #tpu.memory_space<hbm>>
      %dma_start3A_97 = arith.constant 0 : i32
      %dma_start3A_98 = tpu.memref_slice %arg3[%add3A_10, %dma_start3A_97] : memref<1280x128xi32, #tpu.memory_space<hbm>> -> memref<40x128xi32, #tpu.memory_space<hbm>>
      tpu.enqueue_dma source(%dma_start3A_98 : memref<40x128xi32, #tpu.memory_space<hbm>>) target(%arg8 : memref<40x128xi32, #tpu.memory_space<vmem>>) target_semaphore(%run_scoped3A_94 : memref<!tpu.dma_semaphore, #tpu.memory_space<semaphore_mem>>)
      %dma_wait3A_99 = arith.constant 0 : i32
      %dma_wait3A_100 = tpu.memref_slice %arg3[%add3A_10, %dma_wait3A_99] : memref<1280x128xi32, #tpu.memory_space<hbm>> -> memref<40x128xi32, #tpu.memory_space<hbm>>
      %dma_wait3A_101 = arith.constant 0 : i32
      %dma_wait3A_102 = tpu.memref_slice %arg3[%add3A_10, %dma_wait3A_101] : memref<1280x128xi32, #tpu.memory_space<hbm>> -> memref<40x128xi32, #tpu.memory_space<hbm>>
      tpu.wait_dma2 semaphore(%run_scoped3A_94 : memref<!tpu.dma_semaphore, #tpu.memory_space<semaphore_mem>>) src(%dma_wait3A_102 : memref<40x128xi32, #tpu.memory_space<hbm>>) dst(%arg8 : memref<40x128xi32, #tpu.memory_space<vmem>>)
      tpu.yield
    }) : () -> ()
    %dma_start3A = arith.constant 0 : i32
    %dma_start3A_11 = arith.constant 0 : i32
    %dma_start3A_12 = tpu.memref_slice %arg7[%dma_start3A, %dma_start3A_11] : memref<40x128xi32, #tpu.memory_space<vmem>> -> memref<1x128xi32, #tpu.memory_space<vmem>>
    %dma_start3A_13 = tpu.memref_squeeze %dma_start3A_12 : memref<1x128xi32, #tpu.memory_space<vmem>> -> memref<128xi32, #tpu.memory_space<vmem>>
    %dma_start3A_14 = arith.constant 0 : i32
    %dma_start3A_15 = arith.constant 0 : i32
    %dma_start3A_16 = tpu.memref_slice %arg4[%dma_start3A_14, %dma_start3A_15] : memref<20000x128xf32, #tpu.memory_space<hbm>> -> memref<20000x128xf32, #tpu.memory_space<hbm>>
    tpu.enqueue_indirect_dma source(%dma_start3A_16 : memref<20000x128xf32, #tpu.memory_space<hbm>>) target(%arg9 : memref<128x128xf32, #tpu.memory_space<vmem>>) offsets(%dma_start3A_13 : memref<128xi32, #tpu.memory_space<vmem>>) semaphore(%arg12 : memref<!tpu.dma_semaphore, #tpu.memory_space<semaphore_mem>>)
    %scan3A = arith.constant 0 : i32
    %scan3A_17 = arith.constant 0 : i32
    %scan3A_18 = arith.constant 19 : i32
    %scan3A_19 = arith.addi %scan3A_17, %scan3A_18 : i32
    %scan3A_20 = arith.constant 1 : i32
    scf.for %scan3A_94 = %scan3A_17 to %scan3A_19 step %scan3A_20  : i32 {
      %mul3A_95 = arith.constant 2 : i32
      %mul3A_96 = arith.muli %mul3A_95, %scan3A_94 : i32
      %add3A_97 = arith.constant 1 : i32
      %add3A_98 = arith.addi %mul3A_96, %add3A_97 : i32
      %dma_start3A_99 = arith.constant 0 : i32
      %dma_start3A_100 = tpu.memref_slice %arg7[%add3A_98, %dma_start3A_99] : memref<40x128xi32, #tpu.memory_space<vmem>> -> memref<1x128xi32, #tpu.memory_space<vmem>>
      %dma_start3A_101 = tpu.memref_squeeze %dma_start3A_100 : memref<1x128xi32, #tpu.memory_space<vmem>> -> memref<128xi32, #tpu.memory_space<vmem>>
      %dma_start3A_102 = arith.constant 0 : i32
      %dma_start3A_103 = arith.constant 0 : i32
      %dma_start3A_104 = tpu.memref_slice %arg4[%dma_start3A_102, %dma_start3A_103] : memref<20000x128xf32, #tpu.memory_space<hbm>> -> memref<20000x128xf32, #tpu.memory_space<hbm>>
      tpu.enqueue_indirect_dma source(%dma_start3A_104 : memref<20000x128xf32, #tpu.memory_space<hbm>>) target(%arg10 : memref<128x128xf32, #tpu.memory_space<vmem>>) offsets(%dma_start3A_101 : memref<128xi32, #tpu.memory_space<vmem>>) semaphore(%arg13 : memref<!tpu.dma_semaphore, #tpu.memory_space<semaphore_mem>>)
      %dma_wait3A_105 = arith.constant 0 : i32
      %dma_wait3A_106 = tpu.memref_slice %arg7[%mul3A_96, %dma_wait3A_105] : memref<40x128xi32, #tpu.memory_space<vmem>> -> memref<1x128xi32, #tpu.memory_space<vmem>>
      %dma_wait3A_107 = tpu.memref_squeeze %dma_wait3A_106 : memref<1x128xi32, #tpu.memory_space<vmem>> -> memref<128xi32, #tpu.memory_space<vmem>>
      %dma_wait3A_108 = arith.constant 0 : i32
      %dma_wait3A_109 = arith.constant 0 : i32
      %dma_wait3A_110 = tpu.memref_slice %arg4[%dma_wait3A_108, %dma_wait3A_109] : memref<20000x128xf32, #tpu.memory_space<hbm>> -> memref<20000x128xf32, #tpu.memory_space<hbm>>
      tpu.wait_indirect_dma semaphore(%arg12 : memref<!tpu.dma_semaphore, #tpu.memory_space<semaphore_mem>>) src(%dma_wait3A_110 : memref<20000x128xf32, #tpu.memory_space<hbm>>) dst(%arg9 : memref<128x128xf32, #tpu.memory_space<vmem>>)
      "tpu.region"() ({
        %run_scoped3A_129 = tpu.sem_alloc : memref<!tpu.dma_semaphore, #tpu.memory_space<semaphore_mem>>
        %dma_start3A_130 = arith.constant 0 : i32
        %dma_start3A_131 = tpu.memref_slice %arg8[%mul3A_96, %dma_start3A_130] : memref<40x128xi32, #tpu.memory_space<vmem>> -> memref<1x128xi32, #tpu.memory_space<vmem>>
        %dma_start3A_132 = tpu.memref_squeeze %dma_start3A_131 : memref<1x128xi32, #tpu.memory_space<vmem>> -> memref<128xi32, #tpu.memory_space<vmem>>
        %dma_start3A_133 = arith.constant 0 : i32
        %dma_start3A_134 = arith.constant 0 : i32
        %dma_start3A_135 = tpu.memref_slice %arg11[%dma_start3A_133, %dma_start3A_134] : memref<10112x128xf32, #tpu.memory_space<vmem_shared>> -> memref<10112x128xf32, #tpu.memory_space<vmem_shared>>
        tpu.enqueue_indirect_dma source(%arg9 : memref<128x128xf32, #tpu.memory_space<vmem>>) target(%dma_start3A_135 : memref<10112x128xf32, #tpu.memory_space<vmem_shared>>) offsets(%dma_start3A_132 : memref<128xi32, #tpu.memory_space<vmem>>) semaphore(%run_scoped3A_129 : memref<!tpu.dma_semaphore, #tpu.memory_space<semaphore_mem>>) {add = true}
        %dma_wait3A_136 = arith.constant 0 : i32
        %dma_wait3A_137 = tpu.memref_slice %arg8[%mul3A_96, %dma_wait3A_136] : memref<40x128xi32, #tpu.memory_space<vmem>> -> memref<1x128xi32, #tpu.memory_space<vmem>>
        %dma_wait3A_138 = tpu.memref_squeeze %dma_wait3A_137 : memref<1x128xi32, #tpu.memory_space<vmem>> -> memref<128xi32, #tpu.memory_space<vmem>>
        %dma_wait3A_139 = arith.constant 0 : i32
        %dma_wait3A_140 = arith.constant 0 : i32
        %dma_wait3A_141 = tpu.memref_slice %arg11[%dma_wait3A_139, %dma_wait3A_140] : memref<10112x128xf32, #tpu.memory_space<vmem_shared>> -> memref<10112x128xf32, #tpu.memory_space<vmem_shared>>
        tpu.wait_indirect_dma semaphore(%run_scoped3A_129 : memref<!tpu.dma_semaphore, #tpu.memory_space<semaphore_mem>>) src(%arg9 : memref<128x128xf32, #tpu.memory_space<vmem>>) dst(%dma_wait3A_141 : memref<10112x128xf32, #tpu.memory_space<vmem_shared>>)
        tpu.yield
      }) : () -> ()
      %add3A_111 = arith.constant 2 : i32
      %add3A_112 = arith.addi %mul3A_96, %add3A_111 : i32
      %dma_start3A_113 = arith.constant 0 : i32
      %dma_start3A_114 = tpu.memref_slice %arg7[%add3A_112, %dma_start3A_113] : memref<40x128xi32, #tpu.memory_space<vmem>> -> memref<1x128xi32, #tpu.memory_space<vmem>>
      %dma_start3A_115 = tpu.memref_squeeze %dma_start3A_114 : memref<1x128xi32, #tpu.memory_space<vmem>> -> memref<128xi32, #tpu.memory_space<vmem>>
      %dma_start3A_116 = arith.constant 0 : i32
      %dma_start3A_117 = arith.constant 0 : i32
      %dma_start3A_118 = tpu.memref_slice %arg4[%dma_start3A_116, %dma_start3A_117] : memref<20000x128xf32, #tpu.memory_space<hbm>> -> memref<20000x128xf32, #tpu.memory_space<hbm>>
      tpu.enqueue_indirect_dma source(%dma_start3A_118 : memref<20000x128xf32, #tpu.memory_space<hbm>>) target(%arg9 : memref<128x128xf32, #tpu.memory_space<vmem>>) offsets(%dma_start3A_115 : memref<128xi32, #tpu.memory_space<vmem>>) semaphore(%arg12 : memref<!tpu.dma_semaphore, #tpu.memory_space<semaphore_mem>>)
      %add3A_119 = arith.constant 1 : i32
      %add3A_120 = arith.addi %mul3A_96, %add3A_119 : i32
      %dma_wait3A_121 = arith.constant 0 : i32
      %dma_wait3A_122 = tpu.memref_slice %arg7[%add3A_120, %dma_wait3A_121] : memref<40x128xi32, #tpu.memory_space<vmem>> -> memref<1x128xi32, #tpu.memory_space<vmem>>
      %dma_wait3A_123 = tpu.memref_squeeze %dma_wait3A_122 : memref<1x128xi32, #tpu.memory_space<vmem>> -> memref<128xi32, #tpu.memory_space<vmem>>
      %dma_wait3A_124 = arith.constant 0 : i32
      %dma_wait3A_125 = arith.constant 0 : i32
      %dma_wait3A_126 = tpu.memref_slice %arg4[%dma_wait3A_124, %dma_wait3A_125] : memref<20000x128xf32, #tpu.memory_space<hbm>> -> memref<20000x128xf32, #tpu.memory_space<hbm>>
      tpu.wait_indirect_dma semaphore(%arg13 : memref<!tpu.dma_semaphore, #tpu.memory_space<semaphore_mem>>) src(%dma_wait3A_126 : memref<20000x128xf32, #tpu.memory_space<hbm>>) dst(%arg10 : memref<128x128xf32, #tpu.memory_space<vmem>>)
      %add3A_127 = arith.constant 1 : i32
      %add3A_128 = arith.addi %mul3A_96, %add3A_127 : i32
      "tpu.region"() ({
        %run_scoped3A_129 = tpu.sem_alloc : memref<!tpu.dma_semaphore, #tpu.memory_space<semaphore_mem>>
        %dma_start3A_130 = arith.constant 0 : i32
        %dma_start3A_131 = tpu.memref_slice %arg8[%add3A_128, %dma_start3A_130] : memref<40x128xi32, #tpu.memory_space<vmem>> -> memref<1x128xi32, #tpu.memory_space<vmem>>
        %dma_start3A_132 = tpu.memref_squeeze %dma_start3A_131 : memref<1x128xi32, #tpu.memory_space<vmem>> -> memref<128xi32, #tpu.memory_space<vmem>>
        %dma_start3A_133 = arith.constant 0 : i32
        %dma_start3A_134 = arith.constant 0 : i32
        %dma_start3A_135 = tpu.memref_slice %arg11[%dma_start3A_133, %dma_start3A_134] : memref<10112x128xf32, #tpu.memory_space<vmem_shared>> -> memref<10112x128xf32, #tpu.memory_space<vmem_shared>>
        tpu.enqueue_indirect_dma source(%arg10 : memref<128x128xf32, #tpu.memory_space<vmem>>) target(%dma_start3A_135 : memref<10112x128xf32, #tpu.memory_space<vmem_shared>>) offsets(%dma_start3A_132 : memref<128xi32, #tpu.memory_space<vmem>>) semaphore(%run_scoped3A_129 : memref<!tpu.dma_semaphore, #tpu.memory_space<semaphore_mem>>) {add = true}
        %dma_wait3A_136 = arith.constant 0 : i32
        %dma_wait3A_137 = tpu.memref_slice %arg8[%add3A_128, %dma_wait3A_136] : memref<40x128xi32, #tpu.memory_space<vmem>> -> memref<1x128xi32, #tpu.memory_space<vmem>>
        %dma_wait3A_138 = tpu.memref_squeeze %dma_wait3A_137 : memref<1x128xi32, #tpu.memory_space<vmem>> -> memref<128xi32, #tpu.memory_space<vmem>>
        %dma_wait3A_139 = arith.constant 0 : i32
        %dma_wait3A_140 = arith.constant 0 : i32
        %dma_wait3A_141 = tpu.memref_slice %arg11[%dma_wait3A_139, %dma_wait3A_140] : memref<10112x128xf32, #tpu.memory_space<vmem_shared>> -> memref<10112x128xf32, #tpu.memory_space<vmem_shared>>
        tpu.wait_indirect_dma semaphore(%run_scoped3A_129 : memref<!tpu.dma_semaphore, #tpu.memory_space<semaphore_mem>>) src(%arg10 : memref<128x128xf32, #tpu.memory_space<vmem>>) dst(%dma_wait3A_141 : memref<10112x128xf32, #tpu.memory_space<vmem_shared>>)
        tpu.yield
      }) : () -> ()
    }
    %scan3A_21 = arith.constant 19 : i32
    %dma_start3A_22 = arith.constant 39 : i32
    %dma_start3A_23 = arith.constant 0 : i32
    %dma_start3A_24 = tpu.memref_slice %arg7[%dma_start3A_22, %dma_start3A_23] : memref<40x128xi32, #tpu.memory_space<vmem>> -> memref<1x128xi32, #tpu.memory_space<vmem>>
    %dma_start3A_25 = tpu.memref_squeeze %dma_start3A_24 : memref<1x128xi32, #tpu.memory_space<vmem>> -> memref<128xi32, #tpu.memory_space<vmem>>
    %dma_start3A_26 = arith.constant 0 : i32
    %dma_start3A_27 = arith.constant 0 : i32
    %dma_start3A_28 = tpu.memref_slice %arg4[%dma_start3A_26, %dma_start3A_27] : memref<20000x128xf32, #tpu.memory_space<hbm>> -> memref<20000x128xf32, #tpu.memory_space<hbm>>
    tpu.enqueue_indirect_dma source(%dma_start3A_28 : memref<20000x128xf32, #tpu.memory_space<hbm>>) target(%arg10 : memref<128x128xf32, #tpu.memory_space<vmem>>) offsets(%dma_start3A_25 : memref<128xi32, #tpu.memory_space<vmem>>) semaphore(%arg13 : memref<!tpu.dma_semaphore, #tpu.memory_space<semaphore_mem>>)
    %dma_wait3A = arith.constant 38 : i32
    %dma_wait3A_29 = arith.constant 0 : i32
    %dma_wait3A_30 = tpu.memref_slice %arg7[%dma_wait3A, %dma_wait3A_29] : memref<40x128xi32, #tpu.memory_space<vmem>> -> memref<1x128xi32, #tpu.memory_space<vmem>>
    %dma_wait3A_31 = tpu.memref_squeeze %dma_wait3A_30 : memref<1x128xi32, #tpu.memory_space<vmem>> -> memref<128xi32, #tpu.memory_space<vmem>>
    %dma_wait3A_32 = arith.constant 0 : i32
    %dma_wait3A_33 = arith.constant 0 : i32
    %dma_wait3A_34 = tpu.memref_slice %arg4[%dma_wait3A_32, %dma_wait3A_33] : memref<20000x128xf32, #tpu.memory_space<hbm>> -> memref<20000x128xf32, #tpu.memory_space<hbm>>
    tpu.wait_indirect_dma semaphore(%arg12 : memref<!tpu.dma_semaphore, #tpu.memory_space<semaphore_mem>>) src(%dma_wait3A_34 : memref<20000x128xf32, #tpu.memory_space<hbm>>) dst(%arg9 : memref<128x128xf32, #tpu.memory_space<vmem>>)
    %run_scoped3A = arith.constant 38 : i32
    "tpu.region"() ({
      %run_scoped3A_94 = tpu.sem_alloc : memref<!tpu.dma_semaphore, #tpu.memory_space<semaphore_mem>>
      %dma_start3A_95 = arith.constant 0 : i32
      %dma_start3A_96 = tpu.memref_slice %arg8[%run_scoped3A, %dma_start3A_95] : memref<40x128xi32, #tpu.memory_space<vmem>> -> memref<1x128xi32, #tpu.memory_space<vmem>>
      %dma_start3A_97 = tpu.memref_squeeze %dma_start3A_96 : memref<1x128xi32, #tpu.memory_space<vmem>> -> memref<128xi32, #tpu.memory_space<vmem>>
      %dma_start3A_98 = arith.constant 0 : i32
      %dma_start3A_99 = arith.constant 0 : i32
      %dma_start3A_100 = tpu.memref_slice %arg11[%dma_start3A_98, %dma_start3A_99] : memref<10112x128xf32, #tpu.memory_space<vmem_shared>> -> memref<10112x128xf32, #tpu.memory_space<vmem_shared>>
      tpu.enqueue_indirect_dma source(%arg9 : memref<128x128xf32, #tpu.memory_space<vmem>>) target(%dma_start3A_100 : memref<10112x128xf32, #tpu.memory_space<vmem_shared>>) offsets(%dma_start3A_97 : memref<128xi32, #tpu.memory_space<vmem>>) semaphore(%run_scoped3A_94 : memref<!tpu.dma_semaphore, #tpu.memory_space<semaphore_mem>>) {add = true}
      %dma_wait3A_101 = arith.constant 0 : i32
      %dma_wait3A_102 = tpu.memref_slice %arg8[%run_scoped3A, %dma_wait3A_101] : memref<40x128xi32, #tpu.memory_space<vmem>> -> memref<1x128xi32, #tpu.memory_space<vmem>>
      %dma_wait3A_103 = tpu.memref_squeeze %dma_wait3A_102 : memref<1x128xi32, #tpu.memory_space<vmem>> -> memref<128xi32, #tpu.memory_space<vmem>>
      %dma_wait3A_104 = arith.constant 0 : i32
      %dma_wait3A_105 = arith.constant 0 : i32
      %dma_wait3A_106 = tpu.memref_slice %arg11[%dma_wait3A_104, %dma_wait3A_105] : memref<10112x128xf32, #tpu.memory_space<vmem_shared>> -> memref<10112x128xf32, #tpu.memory_space<vmem_shared>>
      tpu.wait_indirect_dma semaphore(%run_scoped3A_94 : memref<!tpu.dma_semaphore, #tpu.memory_space<semaphore_mem>>) src(%arg9 : memref<128x128xf32, #tpu.memory_space<vmem>>) dst(%dma_wait3A_106 : memref<10112x128xf32, #tpu.memory_space<vmem_shared>>)
      tpu.yield
    }) : () -> ()
    %dma_wait3A_35 = arith.constant 39 : i32
    %dma_wait3A_36 = arith.constant 0 : i32
    %dma_wait3A_37 = tpu.memref_slice %arg7[%dma_wait3A_35, %dma_wait3A_36] : memref<40x128xi32, #tpu.memory_space<vmem>> -> memref<1x128xi32, #tpu.memory_space<vmem>>
    %dma_wait3A_38 = tpu.memref_squeeze %dma_wait3A_37 : memref<1x128xi32, #tpu.memory_space<vmem>> -> memref<128xi32, #tpu.memory_space<vmem>>
    %dma_wait3A_39 = arith.constant 0 : i32
    %dma_wait3A_40 = arith.constant 0 : i32
    %dma_wait3A_41 = tpu.memref_slice %arg4[%dma_wait3A_39, %dma_wait3A_40] : memref<20000x128xf32, #tpu.memory_space<hbm>> -> memref<20000x128xf32, #tpu.memory_space<hbm>>
    tpu.wait_indirect_dma semaphore(%arg13 : memref<!tpu.dma_semaphore, #tpu.memory_space<semaphore_mem>>) src(%dma_wait3A_41 : memref<20000x128xf32, #tpu.memory_space<hbm>>) dst(%arg10 : memref<128x128xf32, #tpu.memory_space<vmem>>)
    %run_scoped3A_42 = arith.constant 39 : i32
    "tpu.region"() ({
      %run_scoped3A_94 = tpu.sem_alloc : memref<!tpu.dma_semaphore, #tpu.memory_space<semaphore_mem>>
      %dma_start3A_95 = arith.constant 0 : i32
      %dma_start3A_96 = tpu.memref_slice %arg8[%run_scoped3A_42, %dma_start3A_95] : memref<40x128xi32, #tpu.memory_space<vmem>> -> memref<1x128xi32, #tpu.memory_space<vmem>>
      %dma_start3A_97 = tpu.memref_squeeze %dma_start3A_96 : memref<1x128xi32, #tpu.memory_space<vmem>> -> memref<128xi32, #tpu.memory_space<vmem>>
      %dma_start3A_98 = arith.constant 0 : i32
      %dma_start3A_99 = arith.constant 0 : i32
      %dma_start3A_100 = tpu.memref_slice %arg11[%dma_start3A_98, %dma_start3A_99] : memref<10112x128xf32, #tpu.memory_space<vmem_shared>> -> memref<10112x128xf32, #tpu.memory_space<vmem_shared>>
      tpu.enqueue_indirect_dma source(%arg10 : memref<128x128xf32, #tpu.memory_space<vmem>>) target(%dma_start3A_100 : memref<10112x128xf32, #tpu.memory_space<vmem_shared>>) offsets(%dma_start3A_97 : memref<128xi32, #tpu.memory_space<vmem>>) semaphore(%run_scoped3A_94 : memref<!tpu.dma_semaphore, #tpu.memory_space<semaphore_mem>>) {add = true}
      %dma_wait3A_101 = arith.constant 0 : i32
      %dma_wait3A_102 = tpu.memref_slice %arg8[%run_scoped3A_42, %dma_wait3A_101] : memref<40x128xi32, #tpu.memory_space<vmem>> -> memref<1x128xi32, #tpu.memory_space<vmem>>
      %dma_wait3A_103 = tpu.memref_squeeze %dma_wait3A_102 : memref<1x128xi32, #tpu.memory_space<vmem>> -> memref<128xi32, #tpu.memory_space<vmem>>
      %dma_wait3A_104 = arith.constant 0 : i32
      %dma_wait3A_105 = arith.constant 0 : i32
      %dma_wait3A_106 = tpu.memref_slice %arg11[%dma_wait3A_104, %dma_wait3A_105] : memref<10112x128xf32, #tpu.memory_space<vmem_shared>> -> memref<10112x128xf32, #tpu.memory_space<vmem_shared>>
      tpu.wait_indirect_dma semaphore(%run_scoped3A_94 : memref<!tpu.dma_semaphore, #tpu.memory_space<semaphore_mem>>) src(%arg10 : memref<128x128xf32, #tpu.memory_space<vmem>>) dst(%dma_wait3A_106 : memref<10112x128xf32, #tpu.memory_space<vmem_shared>>)
      tpu.yield
    }) : () -> ()
    %mul3A_43 = arith.constant 16 : i32
    %mul3A_44 = arith.muli %arg0, %mul3A_43 : i32
    %add3A_45 = arith.addi %mul3A_44, %arg1 : i32
    %mul3A_46 = arith.constant 80 : i32
    %mul3A_47 = arith.muli %add3A_45, %mul3A_46 : i32
    %add3A_48 = arith.constant 40 : i32
    %add3A_49 = arith.addi %mul3A_47, %add3A_48 : i32
    "tpu.region"() ({
      %run_scoped3A_94 = tpu.sem_alloc : memref<!tpu.dma_semaphore, #tpu.memory_space<semaphore_mem>>
      %dma_start3A_95 = arith.constant 0 : i32
      %dma_start3A_96 = tpu.memref_slice %arg2[%add3A_49, %dma_start3A_95] : memref<2560x128xi32, #tpu.memory_space<hbm>> -> memref<40x128xi32, #tpu.memory_space<hbm>>
      %dma_start3A_97 = arith.constant 0 : i32
      %dma_start3A_98 = tpu.memref_slice %arg2[%add3A_49, %dma_start3A_97] : memref<2560x128xi32, #tpu.memory_space<hbm>> -> memref<40x128xi32, #tpu.memory_space<hbm>>
      tpu.enqueue_dma source(%dma_start3A_98 : memref<40x128xi32, #tpu.memory_space<hbm>>) target(%arg7 : memref<40x128xi32, #tpu.memory_space<vmem>>) target_semaphore(%run_scoped3A_94 : memref<!tpu.dma_semaphore, #tpu.memory_space<semaphore_mem>>)
      %dma_wait3A_99 = arith.constant 0 : i32
      %dma_wait3A_100 = tpu.memref_slice %arg2[%add3A_49, %dma_wait3A_99] : memref<2560x128xi32, #tpu.memory_space<hbm>> -> memref<40x128xi32, #tpu.memory_space<hbm>>
      %dma_wait3A_101 = arith.constant 0 : i32
      %dma_wait3A_102 = tpu.memref_slice %arg2[%add3A_49, %dma_wait3A_101] : memref<2560x128xi32, #tpu.memory_space<hbm>> -> memref<40x128xi32, #tpu.memory_space<hbm>>
      tpu.wait_dma2 semaphore(%run_scoped3A_94 : memref<!tpu.dma_semaphore, #tpu.memory_space<semaphore_mem>>) src(%dma_wait3A_102 : memref<40x128xi32, #tpu.memory_space<hbm>>) dst(%arg7 : memref<40x128xi32, #tpu.memory_space<vmem>>)
      tpu.yield
    }) : () -> ()
    %mul3A_50 = arith.constant 80 : i32
    %mul3A_51 = arith.muli %arg1, %mul3A_50 : i32
    %add3A_52 = arith.constant 40 : i32
    %add3A_53 = arith.addi %mul3A_51, %add3A_52 : i32
    "tpu.region"() ({
      %run_scoped3A_94 = tpu.sem_alloc : memref<!tpu.dma_semaphore, #tpu.memory_space<semaphore_mem>>
      %dma_start3A_95 = arith.constant 0 : i32
      %dma_start3A_96 = tpu.memref_slice %arg3[%add3A_53, %dma_start3A_95] : memref<1280x128xi32, #tpu.memory_space<hbm>> -> memref<40x128xi32, #tpu.memory_space<hbm>>
      %dma_start3A_97 = arith.constant 0 : i32
      %dma_start3A_98 = tpu.memref_slice %arg3[%add3A_53, %dma_start3A_97] : memref<1280x128xi32, #tpu.memory_space<hbm>> -> memref<40x128xi32, #tpu.memory_space<hbm>>
      tpu.enqueue_dma source(%dma_start3A_98 : memref<40x128xi32, #tpu.memory_space<hbm>>) target(%arg8 : memref<40x128xi32, #tpu.memory_space<vmem>>) target_semaphore(%run_scoped3A_94 : memref<!tpu.dma_semaphore, #tpu.memory_space<semaphore_mem>>)
      %dma_wait3A_99 = arith.constant 0 : i32
      %dma_wait3A_100 = tpu.memref_slice %arg3[%add3A_53, %dma_wait3A_99] : memref<1280x128xi32, #tpu.memory_space<hbm>> -> memref<40x128xi32, #tpu.memory_space<hbm>>
      %dma_wait3A_101 = arith.constant 0 : i32
      %dma_wait3A_102 = tpu.memref_slice %arg3[%add3A_53, %dma_wait3A_101] : memref<1280x128xi32, #tpu.memory_space<hbm>> -> memref<40x128xi32, #tpu.memory_space<hbm>>
      tpu.wait_dma2 semaphore(%run_scoped3A_94 : memref<!tpu.dma_semaphore, #tpu.memory_space<semaphore_mem>>) src(%dma_wait3A_102 : memref<40x128xi32, #tpu.memory_space<hbm>>) dst(%arg8 : memref<40x128xi32, #tpu.memory_space<vmem>>)
      tpu.yield
    }) : () -> ()
    %dma_start3A_54 = arith.constant 0 : i32
    %dma_start3A_55 = arith.constant 0 : i32
    %dma_start3A_56 = tpu.memref_slice %arg7[%dma_start3A_54, %dma_start3A_55] : memref<40x128xi32, #tpu.memory_space<vmem>> -> memref<1x128xi32, #tpu.memory_space<vmem>>
    %dma_start3A_57 = tpu.memref_squeeze %dma_start3A_56 : memref<1x128xi32, #tpu.memory_space<vmem>> -> memref<128xi32, #tpu.memory_space<vmem>>
    %dma_start3A_58 = arith.constant 0 : i32
    %dma_start3A_59 = arith.constant 0 : i32
    %dma_start3A_60 = tpu.memref_slice %arg4[%dma_start3A_58, %dma_start3A_59] : memref<20000x128xf32, #tpu.memory_space<hbm>> -> memref<20000x128xf32, #tpu.memory_space<hbm>>
    tpu.enqueue_indirect_dma source(%dma_start3A_60 : memref<20000x128xf32, #tpu.memory_space<hbm>>) target(%arg9 : memref<128x128xf32, #tpu.memory_space<vmem>>) offsets(%dma_start3A_57 : memref<128xi32, #tpu.memory_space<vmem>>) semaphore(%arg12 : memref<!tpu.dma_semaphore, #tpu.memory_space<semaphore_mem>>)
    %scan3A_61 = arith.constant 0 : i32
    %scan3A_62 = arith.constant 0 : i32
    %scan3A_63 = arith.constant 19 : i32
    %scan3A_64 = arith.addi %scan3A_62, %scan3A_63 : i32
    %scan3A_65 = arith.constant 1 : i32
    scf.for %scan3A_94 = %scan3A_62 to %scan3A_64 step %scan3A_65  : i32 {
      %mul3A_95 = arith.constant 2 : i32
      %mul3A_96 = arith.muli %mul3A_95, %scan3A_94 : i32
      %add3A_97 = arith.constant 1 : i32
      %add3A_98 = arith.addi %mul3A_96, %add3A_97 : i32
      %dma_start3A_99 = arith.constant 0 : i32
      %dma_start3A_100 = tpu.memref_slice %arg7[%add3A_98, %dma_start3A_99] : memref<40x128xi32, #tpu.memory_space<vmem>> -> memref<1x128xi32, #tpu.memory_space<vmem>>
      %dma_start3A_101 = tpu.memref_squeeze %dma_start3A_100 : memref<1x128xi32, #tpu.memory_space<vmem>> -> memref<128xi32, #tpu.memory_space<vmem>>
      %dma_start3A_102 = arith.constant 0 : i32
      %dma_start3A_103 = arith.constant 0 : i32
      %dma_start3A_104 = tpu.memref_slice %arg4[%dma_start3A_102, %dma_start3A_103] : memref<20000x128xf32, #tpu.memory_space<hbm>> -> memref<20000x128xf32, #tpu.memory_space<hbm>>
      tpu.enqueue_indirect_dma source(%dma_start3A_104 : memref<20000x128xf32, #tpu.memory_space<hbm>>) target(%arg10 : memref<128x128xf32, #tpu.memory_space<vmem>>) offsets(%dma_start3A_101 : memref<128xi32, #tpu.memory_space<vmem>>) semaphore(%arg13 : memref<!tpu.dma_semaphore, #tpu.memory_space<semaphore_mem>>)
      %dma_wait3A_105 = arith.constant 0 : i32
      %dma_wait3A_106 = tpu.memref_slice %arg7[%mul3A_96, %dma_wait3A_105] : memref<40x128xi32, #tpu.memory_space<vmem>> -> memref<1x128xi32, #tpu.memory_space<vmem>>
      %dma_wait3A_107 = tpu.memref_squeeze %dma_wait3A_106 : memref<1x128xi32, #tpu.memory_space<vmem>> -> memref<128xi32, #tpu.memory_space<vmem>>
      %dma_wait3A_108 = arith.constant 0 : i32
      %dma_wait3A_109 = arith.constant 0 : i32
      %dma_wait3A_110 = tpu.memref_slice %arg4[%dma_wait3A_108, %dma_wait3A_109] : memref<20000x128xf32, #tpu.memory_space<hbm>> -> memref<20000x128xf32, #tpu.memory_space<hbm>>
      tpu.wait_indirect_dma semaphore(%arg12 : memref<!tpu.dma_semaphore, #tpu.memory_space<semaphore_mem>>) src(%dma_wait3A_110 : memref<20000x128xf32, #tpu.memory_space<hbm>>) dst(%arg9 : memref<128x128xf32, #tpu.memory_space<vmem>>)
      "tpu.region"() ({
        %run_scoped3A_129 = tpu.sem_alloc : memref<!tpu.dma_semaphore, #tpu.memory_space<semaphore_mem>>
        %dma_start3A_130 = arith.constant 0 : i32
        %dma_start3A_131 = tpu.memref_slice %arg8[%mul3A_96, %dma_start3A_130] : memref<40x128xi32, #tpu.memory_space<vmem>> -> memref<1x128xi32, #tpu.memory_space<vmem>>
        %dma_start3A_132 = tpu.memref_squeeze %dma_start3A_131 : memref<1x128xi32, #tpu.memory_space<vmem>> -> memref<128xi32, #tpu.memory_space<vmem>>
        %dma_start3A_133 = arith.constant 0 : i32
        %dma_start3A_134 = arith.constant 0 : i32
        %dma_start3A_135 = tpu.memref_slice %arg11[%dma_start3A_133, %dma_start3A_134] : memref<10112x128xf32, #tpu.memory_space<vmem_shared>> -> memref<10112x128xf32, #tpu.memory_space<vmem_shared>>
        tpu.enqueue_indirect_dma source(%arg9 : memref<128x128xf32, #tpu.memory_space<vmem>>) target(%dma_start3A_135 : memref<10112x128xf32, #tpu.memory_space<vmem_shared>>) offsets(%dma_start3A_132 : memref<128xi32, #tpu.memory_space<vmem>>) semaphore(%run_scoped3A_129 : memref<!tpu.dma_semaphore, #tpu.memory_space<semaphore_mem>>) {add = true}
        %dma_wait3A_136 = arith.constant 0 : i32
        %dma_wait3A_137 = tpu.memref_slice %arg8[%mul3A_96, %dma_wait3A_136] : memref<40x128xi32, #tpu.memory_space<vmem>> -> memref<1x128xi32, #tpu.memory_space<vmem>>
        %dma_wait3A_138 = tpu.memref_squeeze %dma_wait3A_137 : memref<1x128xi32, #tpu.memory_space<vmem>> -> memref<128xi32, #tpu.memory_space<vmem>>
        %dma_wait3A_139 = arith.constant 0 : i32
        %dma_wait3A_140 = arith.constant 0 : i32
        %dma_wait3A_141 = tpu.memref_slice %arg11[%dma_wait3A_139, %dma_wait3A_140] : memref<10112x128xf32, #tpu.memory_space<vmem_shared>> -> memref<10112x128xf32, #tpu.memory_space<vmem_shared>>
        tpu.wait_indirect_dma semaphore(%run_scoped3A_129 : memref<!tpu.dma_semaphore, #tpu.memory_space<semaphore_mem>>) src(%arg9 : memref<128x128xf32, #tpu.memory_space<vmem>>) dst(%dma_wait3A_141 : memref<10112x128xf32, #tpu.memory_space<vmem_shared>>)
        tpu.yield
      }) : () -> ()
      %add3A_111 = arith.constant 2 : i32
      %add3A_112 = arith.addi %mul3A_96, %add3A_111 : i32
      %dma_start3A_113 = arith.constant 0 : i32
      %dma_start3A_114 = tpu.memref_slice %arg7[%add3A_112, %dma_start3A_113] : memref<40x128xi32, #tpu.memory_space<vmem>> -> memref<1x128xi32, #tpu.memory_space<vmem>>
      %dma_start3A_115 = tpu.memref_squeeze %dma_start3A_114 : memref<1x128xi32, #tpu.memory_space<vmem>> -> memref<128xi32, #tpu.memory_space<vmem>>
      %dma_start3A_116 = arith.constant 0 : i32
      %dma_start3A_117 = arith.constant 0 : i32
      %dma_start3A_118 = tpu.memref_slice %arg4[%dma_start3A_116, %dma_start3A_117] : memref<20000x128xf32, #tpu.memory_space<hbm>> -> memref<20000x128xf32, #tpu.memory_space<hbm>>
      tpu.enqueue_indirect_dma source(%dma_start3A_118 : memref<20000x128xf32, #tpu.memory_space<hbm>>) target(%arg9 : memref<128x128xf32, #tpu.memory_space<vmem>>) offsets(%dma_start3A_115 : memref<128xi32, #tpu.memory_space<vmem>>) semaphore(%arg12 : memref<!tpu.dma_semaphore, #tpu.memory_space<semaphore_mem>>)
      %add3A_119 = arith.constant 1 : i32
      %add3A_120 = arith.addi %mul3A_96, %add3A_119 : i32
      %dma_wait3A_121 = arith.constant 0 : i32
      %dma_wait3A_122 = tpu.memref_slice %arg7[%add3A_120, %dma_wait3A_121] : memref<40x128xi32, #tpu.memory_space<vmem>> -> memref<1x128xi32, #tpu.memory_space<vmem>>
      %dma_wait3A_123 = tpu.memref_squeeze %dma_wait3A_122 : memref<1x128xi32, #tpu.memory_space<vmem>> -> memref<128xi32, #tpu.memory_space<vmem>>
      %dma_wait3A_124 = arith.constant 0 : i32
      %dma_wait3A_125 = arith.constant 0 : i32
      %dma_wait3A_126 = tpu.memref_slice %arg4[%dma_wait3A_124, %dma_wait3A_125] : memref<20000x128xf32, #tpu.memory_space<hbm>> -> memref<20000x128xf32, #tpu.memory_space<hbm>>
      tpu.wait_indirect_dma semaphore(%arg13 : memref<!tpu.dma_semaphore, #tpu.memory_space<semaphore_mem>>) src(%dma_wait3A_126 : memref<20000x128xf32, #tpu.memory_space<hbm>>) dst(%arg10 : memref<128x128xf32, #tpu.memory_space<vmem>>)
      %add3A_127 = arith.constant 1 : i32
      %add3A_128 = arith.addi %mul3A_96, %add3A_127 : i32
      "tpu.region"() ({
        %run_scoped3A_129 = tpu.sem_alloc : memref<!tpu.dma_semaphore, #tpu.memory_space<semaphore_mem>>
        %dma_start3A_130 = arith.constant 0 : i32
        %dma_start3A_131 = tpu.memref_slice %arg8[%add3A_128, %dma_start3A_130] : memref<40x128xi32, #tpu.memory_space<vmem>> -> memref<1x128xi32, #tpu.memory_space<vmem>>
        %dma_start3A_132 = tpu.memref_squeeze %dma_start3A_131 : memref<1x128xi32, #tpu.memory_space<vmem>> -> memref<128xi32, #tpu.memory_space<vmem>>
        %dma_start3A_133 = arith.constant 0 : i32
        %dma_start3A_134 = arith.constant 0 : i32
        %dma_start3A_135 = tpu.memref_slice %arg11[%dma_start3A_133, %dma_start3A_134] : memref<10112x128xf32, #tpu.memory_space<vmem_shared>> -> memref<10112x128xf32, #tpu.memory_space<vmem_shared>>
        tpu.enqueue_indirect_dma source(%arg10 : memref<128x128xf32, #tpu.memory_space<vmem>>) target(%dma_start3A_135 : memref<10112x128xf32, #tpu.memory_space<vmem_shared>>) offsets(%dma_start3A_132 : memref<128xi32, #tpu.memory_space<vmem>>) semaphore(%run_scoped3A_129 : memref<!tpu.dma_semaphore, #tpu.memory_space<semaphore_mem>>) {add = true}
        %dma_wait3A_136 = arith.constant 0 : i32
        %dma_wait3A_137 = tpu.memref_slice %arg8[%add3A_128, %dma_wait3A_136] : memref<40x128xi32, #tpu.memory_space<vmem>> -> memref<1x128xi32, #tpu.memory_space<vmem>>
        %dma_wait3A_138 = tpu.memref_squeeze %dma_wait3A_137 : memref<1x128xi32, #tpu.memory_space<vmem>> -> memref<128xi32, #tpu.memory_space<vmem>>
        %dma_wait3A_139 = arith.constant 0 : i32
        %dma_wait3A_140 = arith.constant 0 : i32
        %dma_wait3A_141 = tpu.memref_slice %arg11[%dma_wait3A_139, %dma_wait3A_140] : memref<10112x128xf32, #tpu.memory_space<vmem_shared>> -> memref<10112x128xf32, #tpu.memory_space<vmem_shared>>
        tpu.wait_indirect_dma semaphore(%run_scoped3A_129 : memref<!tpu.dma_semaphore, #tpu.memory_space<semaphore_mem>>) src(%arg10 : memref<128x128xf32, #tpu.memory_space<vmem>>) dst(%dma_wait3A_141 : memref<10112x128xf32, #tpu.memory_space<vmem_shared>>)
        tpu.yield
      }) : () -> ()
    }
    %scan3A_66 = arith.constant 19 : i32
    %dma_start3A_67 = arith.constant 39 : i32
    %dma_start3A_68 = arith.constant 0 : i32
    %dma_start3A_69 = tpu.memref_slice %arg7[%dma_start3A_67, %dma_start3A_68] : memref<40x128xi32, #tpu.memory_space<vmem>> -> memref<1x128xi32, #tpu.memory_space<vmem>>
    %dma_start3A_70 = tpu.memref_squeeze %dma_start3A_69 : memref<1x128xi32, #tpu.memory_space<vmem>> -> memref<128xi32, #tpu.memory_space<vmem>>
    %dma_start3A_71 = arith.constant 0 : i32
    %dma_start3A_72 = arith.constant 0 : i32
    %dma_start3A_73 = tpu.memref_slice %arg4[%dma_start3A_71, %dma_start3A_72] : memref<20000x128xf32, #tpu.memory_space<hbm>> -> memref<20000x128xf32, #tpu.memory_space<hbm>>
    tpu.enqueue_indirect_dma source(%dma_start3A_73 : memref<20000x128xf32, #tpu.memory_space<hbm>>) target(%arg10 : memref<128x128xf32, #tpu.memory_space<vmem>>) offsets(%dma_start3A_70 : memref<128xi32, #tpu.memory_space<vmem>>) semaphore(%arg13 : memref<!tpu.dma_semaphore, #tpu.memory_space<semaphore_mem>>)
    %dma_wait3A_74 = arith.constant 38 : i32
    %dma_wait3A_75 = arith.constant 0 : i32
    %dma_wait3A_76 = tpu.memref_slice %arg7[%dma_wait3A_74, %dma_wait3A_75] : memref<40x128xi32, #tpu.memory_space<vmem>> -> memref<1x128xi32, #tpu.memory_space<vmem>>
    %dma_wait3A_77 = tpu.memref_squeeze %dma_wait3A_76 : memref<1x128xi32, #tpu.memory_space<vmem>> -> memref<128xi32, #tpu.memory_space<vmem>>
    %dma_wait3A_78 = arith.constant 0 : i32
    %dma_wait3A_79 = arith.constant 0 : i32
    %dma_wait3A_80 = tpu.memref_slice %arg4[%dma_wait3A_78, %dma_wait3A_79] : memref<20000x128xf32, #tpu.memory_space<hbm>> -> memref<20000x128xf32, #tpu.memory_space<hbm>>
    tpu.wait_indirect_dma semaphore(%arg12 : memref<!tpu.dma_semaphore, #tpu.memory_space<semaphore_mem>>) src(%dma_wait3A_80 : memref<20000x128xf32, #tpu.memory_space<hbm>>) dst(%arg9 : memref<128x128xf32, #tpu.memory_space<vmem>>)
    %run_scoped3A_81 = arith.constant 38 : i32
    "tpu.region"() ({
      %run_scoped3A_94 = tpu.sem_alloc : memref<!tpu.dma_semaphore, #tpu.memory_space<semaphore_mem>>
      %dma_start3A_95 = arith.constant 0 : i32
      %dma_start3A_96 = tpu.memref_slice %arg8[%run_scoped3A_81, %dma_start3A_95] : memref<40x128xi32, #tpu.memory_space<vmem>> -> memref<1x128xi32, #tpu.memory_space<vmem>>
      %dma_start3A_97 = tpu.memref_squeeze %dma_start3A_96 : memref<1x128xi32, #tpu.memory_space<vmem>> -> memref<128xi32, #tpu.memory_space<vmem>>
      %dma_start3A_98 = arith.constant 0 : i32
      %dma_start3A_99 = arith.constant 0 : i32
      %dma_start3A_100 = tpu.memref_slice %arg11[%dma_start3A_98, %dma_start3A_99] : memref<10112x128xf32, #tpu.memory_space<vmem_shared>> -> memref<10112x128xf32, #tpu.memory_space<vmem_shared>>
      tpu.enqueue_indirect_dma source(%arg9 : memref<128x128xf32, #tpu.memory_space<vmem>>) target(%dma_start3A_100 : memref<10112x128xf32, #tpu.memory_space<vmem_shared>>) offsets(%dma_start3A_97 : memref<128xi32, #tpu.memory_space<vmem>>) semaphore(%run_scoped3A_94 : memref<!tpu.dma_semaphore, #tpu.memory_space<semaphore_mem>>) {add = true}
      %dma_wait3A_101 = arith.constant 0 : i32
      %dma_wait3A_102 = tpu.memref_slice %arg8[%run_scoped3A_81, %dma_wait3A_101] : memref<40x128xi32, #tpu.memory_space<vmem>> -> memref<1x128xi32, #tpu.memory_space<vmem>>
      %dma_wait3A_103 = tpu.memref_squeeze %dma_wait3A_102 : memref<1x128xi32, #tpu.memory_space<vmem>> -> memref<128xi32, #tpu.memory_space<vmem>>
      %dma_wait3A_104 = arith.constant 0 : i32
      %dma_wait3A_105 = arith.constant 0 : i32
      %dma_wait3A_106 = tpu.memref_slice %arg11[%dma_wait3A_104, %dma_wait3A_105] : memref<10112x128xf32, #tpu.memory_space<vmem_shared>> -> memref<10112x128xf32, #tpu.memory_space<vmem_shared>>
      tpu.wait_indirect_dma semaphore(%run_scoped3A_94 : memref<!tpu.dma_semaphore, #tpu.memory_space<semaphore_mem>>) src(%arg9 : memref<128x128xf32, #tpu.memory_space<vmem>>) dst(%dma_wait3A_106 : memref<10112x128xf32, #tpu.memory_space<vmem_shared>>)
      tpu.yield
    }) : () -> ()
    %dma_wait3A_82 = arith.constant 39 : i32
    %dma_wait3A_83 = arith.constant 0 : i32
    %dma_wait3A_84 = tpu.memref_slice %arg7[%dma_wait3A_82, %dma_wait3A_83] : memref<40x128xi32, #tpu.memory_space<vmem>> -> memref<1x128xi32, #tpu.memory_space<vmem>>
    %dma_wait3A_85 = tpu.memref_squeeze %dma_wait3A_84 : memref<1x128xi32, #tpu.memory_space<vmem>> -> memref<128xi32, #tpu.memory_space<vmem>>
    %dma_wait3A_86 = arith.constant 0 : i32
    %dma_wait3A_87 = arith.constant 0 : i32
    %dma_wait3A_88 = tpu.memref_slice %arg4[%dma_wait3A_86, %dma_wait3A_87] : memref<20000x128xf32, #tpu.memory_space<hbm>> -> memref<20000x128xf32, #tpu.memory_space<hbm>>
    tpu.wait_indirect_dma semaphore(%arg13 : memref<!tpu.dma_semaphore, #tpu.memory_space<semaphore_mem>>) src(%dma_wait3A_88 : memref<20000x128xf32, #tpu.memory_space<hbm>>) dst(%arg10 : memref<128x128xf32, #tpu.memory_space<vmem>>)
    %run_scoped3A_89 = arith.constant 39 : i32
    "tpu.region"() ({
      %run_scoped3A_94 = tpu.sem_alloc : memref<!tpu.dma_semaphore, #tpu.memory_space<semaphore_mem>>
      %dma_start3A_95 = arith.constant 0 : i32
      %dma_start3A_96 = tpu.memref_slice %arg8[%run_scoped3A_89, %dma_start3A_95] : memref<40x128xi32, #tpu.memory_space<vmem>> -> memref<1x128xi32, #tpu.memory_space<vmem>>
      %dma_start3A_97 = tpu.memref_squeeze %dma_start3A_96 : memref<1x128xi32, #tpu.memory_space<vmem>> -> memref<128xi32, #tpu.memory_space<vmem>>
      %dma_start3A_98 = arith.constant 0 : i32
      %dma_start3A_99 = arith.constant 0 : i32
      %dma_start3A_100 = tpu.memref_slice %arg11[%dma_start3A_98, %dma_start3A_99] : memref<10112x128xf32, #tpu.memory_space<vmem_shared>> -> memref<10112x128xf32, #tpu.memory_space<vmem_shared>>
      tpu.enqueue_indirect_dma source(%arg10 : memref<128x128xf32, #tpu.memory_space<vmem>>) target(%dma_start3A_100 : memref<10112x128xf32, #tpu.memory_space<vmem_shared>>) offsets(%dma_start3A_97 : memref<128xi32, #tpu.memory_space<vmem>>) semaphore(%run_scoped3A_94 : memref<!tpu.dma_semaphore, #tpu.memory_space<semaphore_mem>>) {add = true}
      %dma_wait3A_101 = arith.constant 0 : i32
      %dma_wait3A_102 = tpu.memref_slice %arg8[%run_scoped3A_89, %dma_wait3A_101] : memref<40x128xi32, #tpu.memory_space<vmem>> -> memref<1x128xi32, #tpu.memory_space<vmem>>
      %dma_wait3A_103 = tpu.memref_squeeze %dma_wait3A_102 : memref<1x128xi32, #tpu.memory_space<vmem>> -> memref<128xi32, #tpu.memory_space<vmem>>
      %dma_wait3A_104 = arith.constant 0 : i32
      %dma_wait3A_105 = arith.constant 0 : i32
      %dma_wait3A_106 = tpu.memref_slice %arg11[%dma_wait3A_104, %dma_wait3A_105] : memref<10112x128xf32, #tpu.memory_space<vmem_shared>> -> memref<10112x128xf32, #tpu.memory_space<vmem_shared>>
      tpu.wait_indirect_dma semaphore(%run_scoped3A_94 : memref<!tpu.dma_semaphore, #tpu.memory_space<semaphore_mem>>) src(%arg10 : memref<128x128xf32, #tpu.memory_space<vmem>>) dst(%dma_wait3A_106 : memref<10112x128xf32, #tpu.memory_space<vmem_shared>>)
      tpu.yield
    }) : () -> ()
    %barrier3A_90 = arith.constant 0 : index
    tpu.barrier barrier_id(%barrier3A_90)
    %mul3A_91 = arith.constant 10112 : i32
    %mul3A_92 = arith.muli %arg0, %mul3A_91 : i32
    %add3A_93 = arith.addi %mul3A_92, %mul3A_0 : i32
    "tpu.region"() ({
      %run_scoped3A_94 = tpu.sem_alloc : memref<!tpu.dma_semaphore, #tpu.memory_space<semaphore_mem>>
      %dma_start3A_95 = arith.constant 0 : i32
      %dma_start3A_96 = tpu.memref_slice %arg6[%add3A_93, %dma_start3A_95] : memref<20224x128xf32, #tpu.memory_space<hbm>> -> memref<632x128xf32, #tpu.memory_space<hbm>>
      %dma_start3A_97 = arith.constant 0 : i32
      %dma_start3A_98 = tpu.memref_slice %arg11[%mul3A_0, %dma_start3A_97] : memref<10112x128xf32, #tpu.memory_space<vmem_shared>> -> memref<632x128xf32, #tpu.memory_space<vmem_shared>>
      tpu.enqueue_dma source(%dma_start3A_98 : memref<632x128xf32, #tpu.memory_space<vmem_shared>>) target(%dma_start3A_96 : memref<632x128xf32, #tpu.memory_space<hbm>>) target_semaphore(%run_scoped3A_94 : memref<!tpu.dma_semaphore, #tpu.memory_space<semaphore_mem>>)
      %dma_wait3A_99 = arith.constant 0 : i32
      %dma_wait3A_100 = tpu.memref_slice %arg6[%add3A_93, %dma_wait3A_99] : memref<20224x128xf32, #tpu.memory_space<hbm>> -> memref<632x128xf32, #tpu.memory_space<hbm>>
      %dma_wait3A_101 = arith.constant 0 : i32
      %dma_wait3A_102 = tpu.memref_slice %arg11[%mul3A_0, %dma_wait3A_101] : memref<10112x128xf32, #tpu.memory_space<vmem_shared>> -> memref<632x128xf32, #tpu.memory_space<vmem_shared>>
      tpu.wait_dma2 semaphore(%run_scoped3A_94 : memref<!tpu.dma_semaphore, #tpu.memory_space<semaphore_mem>>) src(%dma_wait3A_102 : memref<632x128xf32, #tpu.memory_space<vmem_shared>>) dst(%dma_wait3A_100 : memref<632x128xf32, #tpu.memory_space<hbm>>)
      tpu.yield
    }) : () -> ()
    return
  }
}

</mosaic_0001>

<sc_bundles>
// kernel: _sc_segment_sum.3.cloned.1.call-start
scs
__scs_entry_jumppad:
0x0: {  	(pc) =	sbr.rel $0x88, $3  }
0x1: {  	(tag) =	ssettag $0x0;
	lr =	simm.s32 $0x1  }
0x2: {  	[smem:$0x3F9D] =	sst lr;
	_ =	strace $0xD0000000  }
0x3: {  	_ = 	snop  }
0x4: {  	_ = 	snop  }
0x5: {  	_ = 	snop  }
0x6: {  	_ = 	snop  }
0x7: {  	_ = 	snop  }
__scs_overlays_trampoline_lowered:
0x8: {  	[smem:$0x3FAC] =	sst s0  }
0x9: {  	[smem:$0x3FAD] =	sst s1  }
0xa: {  	[smem:$0x3FAE] =	sst s2  }
0xb: {  	[smem:$0x3FAF] =	sst s3  }
0xc: {  	[smem:$0x3FB0] =	sst s4  }
0xd: {  	[smem:$0x3FB1] =	sst s5  }
0xe: {  	[smem:$0x3FB2] =	sst s6  }
0xf: {  	[smem:$0x3FB3] =	sst s7  }
0x10: {  	[smem:$0x3FB4] =	sst s8  }
0x11: {  	[smem:$0x3FB5] =	sst s9;
	s0 =	simm.s32 @!p0 $0x0  }
0x12: {  	s1 =	sld [smem:$0x3F9B];
	s0 =	simm.s32 @p0 $0x1  }
0x13: {  	[smem:$0x3FB6] =	sst s0;
	s0 =	simm.s32 @!p1 $0x0  }
0x14: {  	s2 =	sld [smem:$0x3F9A];
	s0 =	simm.s32 @p1 $0x1  }
0x15: {  	[smem:$0x3FB7] =	sst s0;
	s0 =	simm.s32 @!p2 $0x0  }
0x16: {  	s3 =	sld [smem:$0x3FDB];
	s0 =	simm.s32 @p2 $0x1  }
0x17: {  	s4 =	simm.s32 $0x1BF5;
	[smem:$0x3FB9] =	sst s0  }
0x18: {  	s0 =	sld [smem:$0x3F9C];
	_ =	swait.ge [sflag:s4], $0x0  }
0x19: {  	s7 =	sld [smem:$0x3F9D]  }
0x1a: {  	s8 =	sadd.s32 $0xFFFFE003, lr  }
0x1b: {  	s9 =	sadd.s32 $0xFFFFFEF7, lr;
	s5 =	simm.s32 $0xFFFFFFFF;
	p2 =	slt.u32 s8, $0xFFFFF086  }
0x1c: {  	p1 =	slt.u32 s9, $0xF7A;
	s5 =	simm.s32 @!p2 $0x0  }
0x1d: {  	s5 =	simm.s32 @p1 $0x1;
	p0 =	seq.s32 s7, s2  }
0x1e: {  	s7 =	smul.u32 @!p0 $0xF7A, s2;
	p2 =	seq.s32 @!p0 s5, $0x0  }
0x1f: {  	s9 =	smul.u32 $0xF7A, s1;
	s8 =	simm.s32 @!p0 $0x1BF5;
	p2 =	por !p2, p0  }
0x20: {  	[sflag:s8] =	ssyncset.s32 @!p0 $0xFFFFF086;
	s6 =	sadd.s32 @!p0 s3, s7;
	s7 =	simm.s32 @!p0 $0x108  }
0x21: {  	s3 =	sadd.s32 s3, s9;
	s6 =	sadd.s32 @!p0 $0x88, s6;
	s7 =	simm.s32 @p2 $0x1082  }
0x22: {  	[simem:s7], [sflag:s8] =	dma.local @!p0 [hbm:s6], $0xF7A  }
0x23: {  	s9 =	sor.u32 $0xD0000000, s2;
	s6 =	simm.s32 $0x108;
	_ =	swait.ge @!p0 [sflag:s8], $0x0  }
0x24: {  	s3 =	sadd.s32 $0x88, s3;
	s6 =	simm.s32 @!p1 $0x1082;
	[sflag:s4] =	ssyncset.s32 $0xFFFFF086  }
0x25: {  	[simem:s6], [sflag:s4] =	dma.local [hbm:s3], $0xF7A  }
0x26: {  	[smem:$0x3F9D] =	sst s1;
	(tag) =	ssettag s2;
	_ =	strace s9  }
0x27: {  	s1 =	sld [smem:$0x3FAD]  }
0x28: {  	s2 =	sld [smem:$0x3FAE]  }
0x29: {  	s4 =	sld [smem:$0x3FB0]  }
0x2a: {  	p0 =	seq.s32 s5, $0x0;
	s5 =	sld [smem:$0x3FB1]  }
0x2b: {  	s6 =	sld [smem:$0x3FB2]  }
0x2c: {  	s7 =	sld [smem:$0x3FB3]  }
0x2d: {  	s3 =	simm.s32 $0x108;
	s8 =	sld [smem:$0x3FB4]  }
0x2e: {  	s3 =	simm.s32 @!p0 $0x1082;
	s9 =	sld [smem:$0x3FB5]  }
0x2f: {  	lr =	sadd.s32 s0, s3;
	s0 =	sld [smem:$0x3FAC]  }
0x30: {  	s3 =	sld [smem:$0x3FAF]  }
0x31: {  	[smem:$0x3FB8] =	sst s10  }
0x32: {  	s10 =	sld [smem:$0x3FB6];
	_ =	sdelay $0x3  }
0x33: {  	p0 =	seq.s32 s10, $0x1;
	s10 =	sld [smem:$0x3FB8];
	_ =	sdelay $0x3  }
0x34: {  	[smem:$0x3FB8] =	sst s10  }
0x35: {  	s10 =	sld [smem:$0x3FB7];
	_ =	sdelay $0x3  }
0x36: {  	p1 =	seq.s32 s10, $0x1;
	s10 =	sld [smem:$0x3FB8];
	_ =	sdelay $0x3  }
0x37: {  	[smem:$0x3FB8] =	sst s10  }
0x38: {  	s10 =	sld [smem:$0x3FB9]  }
0x39: {  	_ = 	snop;
	(pc) =	sbr.ind lr, $3  }
0x3a: {  	_ = 	snop  }
0x3b: {  	_ = 	snop  }
0x3c: {  	p2 =	seq.s32 s10, $0x1;
	s10 =	sld [smem:$0x3FB8]  }
0x3d: {  	_ =	shalt  }
0x3e: {  	_ =	shalt  }
0x3f: {  	_ =	shalt  }
0x40: {  	_ =	shalt  }
0x41: {  	_ =	shalt  }
0x42: {  	_ =	shalt  }
0x43: {  	_ =	shalt  }
0x44: {  	_ =	shalt  }
0x45: {  	_ =	shalt  }
0x46: {  	_ =	shalt  }
0x47: {  	_ =	shalt  }
0x48: {  	_ =	shalt  }
0x49: {  	_ =	shalt  }
0x4a: {  	_ =	shalt  }
0x4b: {  	_ =	shalt  }
0x4c: {  	_ =	shalt  }
0x4d: {  	_ =	shalt  }
0x4e: {  	_ =	shalt  }
0x4f: {  	_ =	shalt  }
0x50: {  	_ =	shalt  }
0x51: {  	_ =	shalt  }
0x52: {  	_ =	shalt  }
0x53: {  	_ =	shalt  }
0x54: {  	_ =	shalt  }
0x55: {  	_ =	shalt  }
0x56: {  	_ =	shalt  }
0x57: {  	_ =	shalt  }
0x58: {  	_ =	shalt  }
0x59: {  	_ =	shalt  }
0x5a: {  	_ =	shalt  }
0x5b: {  	_ =	shalt  }
0x5c: {  	_ =	shalt  }
0x5d: {  	_ =	shalt  }
0x5e: {  	_ =	shalt  }
0x5f: {  	_ =	shalt  }
0x60: {  	_ =	shalt  }
0x61: {  	_ =	shalt  }
0x62: {  	_ =	shalt  }
0x63: {  	_ =	shalt  }
0x64: {  	_ =	shalt  }
0x65: {  	_ =	shalt  }
0x66: {  	_ =	shalt  }
0x67: {  	_ =	shalt  }
0x68: {  	_ =	shalt  }
0x69: {  	_ =	shalt  }
0x6a: {  	_ =	shalt  }
0x6b: {  	_ =	shalt  }
0x6c: {  	_ =	shalt  }
0x6d: {  	_ =	shalt  }
0x6e: {  	_ =	shalt  }
0x6f: {  	_ =	shalt  }
0x70: {  	_ =	shalt  }
0x71: {  	_ =	shalt  }
0x72: {  	_ =	shalt  }
0x73: {  	_ =	shalt  }
0x74: {  	_ =	shalt  }
0x75: {  	_ =	shalt  }
0x76: {  	_ =	shalt  }
0x77: {  	_ =	shalt  }
0x78: {  	_ =	shalt  }
0x79: {  	_ =	shalt  }
0x7a: {  	_ =	shalt  }
0x7b: {  	_ =	shalt  }
0x7c: {  	_ =	shalt  }
0x7d: {  	_ =	shalt  }
0x7e: {  	_ =	shalt  }
0x7f: {  	_ =	shalt  }
0x80: {  	_ =	shalt  }
0x81: {  	_ =	shalt  }
0x82: {  	_ =	shalt  }
0x83: {  	_ =	shalt  }
0x84: {  	_ =	shalt  }
0x85: {  	_ =	shalt  }
0x86: {  	_ =	shalt  }
0x87: {  	_ =	shalt  }
.Lfunc_end0:
.L_simem_size_0:
called_computation_lowered:
.L_overlay_start_0:
0x88: {  	s2 =	sld [smem:$0x3FD9]  }
0x89: {  	s3 =	sld [smem:$0x3FFE];
	_ =	sdelay $0x1  }
0x8a: {  	s1 =	srdreg.scid  }
0x8b: {  	s0 =	sand.u32 $0x1, s1  }
0x8c: {  	s18 =	sshll.u32 s0, $0xA;
	s2 =	sadd.s32 s3, s2  }
0x8d: {  	s2 =	sadd.s32 s2, s18  }
0x8e: {  	[smem:$0x3FC4] =	sst s2  }
0x8f: {  	_ = 	snop  }
0x90: {  	s2 =	sld [smem:$0x3FC9]  }
0x91: {  	s19 =	sld [smem:$0x3FC8]  }
0x92: {  	s4 =	sld [smem:$0x3FC7]  }
0x93: {  	s5 =	sld [smem:$0x3FC6]  }
0x94: {  	s6 =	sld [smem:$0x3FD0];
	(tm) =	ssettm $0x1  }
0x95: {  	s7 =	sld [smem:$0x3FFB];
	_ =	sdelay $0x3  }
0x96: {  	_ =	strace s7  }
0x97: {  	s7 =	sld [smem:$0x3FFC];
	_ =	sdelay $0x3  }
0x98: {  	_ =	strace s7  }
0x99: {  	s7 =	sld [smem:$0x3FFD];
	_ =	sdelay $0x3  }
0x9a: {  	_ =	strace s7  }
0x9b: {  	_ =	strace $0x8FFFFFFF  }
0x9c: {  	s20 =	sld [smem:$0x3FDB];
	_ =	sdelay $0x1  }
0x9d: {  	s8 =	simm.s32 $_scs_section_size  }
0x9e: {  	s9 =	simm.s32 $_size__tile_overlayer_lowered;
	s10 =	simm.s32 $_tile_overlayer_lowered  }
0x9f: {  	s23 =	simm.s32 $0x1BFF;
	s22 =	sshll.u32 s10, $0x1;
	s7 =	sadd.s32 s8, s20  }
0xa0: {  	s11 =	simm.s32 $0x0;
	s21 =	sshll.u32 s9, $0x1;
	s9 =	sadd.s32 s22, s7  }
0xa1: {  	[timem:s11], [sflag:s23] =	dma.local [hbm:s9], s21  }
0xa2: {  	_ =	swait.ge [sflag:s23], s21  }
0xa3: {  	s8 =	ssub.s32 $0x0, s21;
	[sflag:s23] =	ssyncset.done $0x0  }
0xa4: {  	[sflag:s23] =	ssyncadd.s32 s8;
	_ =	sdelay $0x1  }
0xa5: {  	s24 =	simm.s32 $0x1B8B  }
0xa6: {  	_ =	swait.ge [sflag:s24], $0x1  }
0xa7: {  	[sflag:s24] =	ssyncset.done $0x0  }
0xa8: {  	s25 =	simm.s32 $0x1B8E;
	[sflag:s24] =	ssyncadd.s32 $0xFFFFFFFF  }
0xa9: {  	s26 =	simm.s32 $execute0_lowered;
	[smem:$0x3FD2] =	sst s25  }
0xaa: {  	s8 =	sshll.u32 s26, $0x1;
	_ =	strace $0x80000046;
	[dreg:$0x1] =	wrdreg $0xFFFFFFFF  }
0xab: {  	s28 =	simm.s32 $_size_execute0_lowered;
	s7 =	sadd.s32 s7, s8;
	[dreg:$0x0] =	wrdreg $0x0  }
0xac: {  	s8 =	sshll.u32 s28, $0x1;
	[dreg:$0x2] =	wrdreg s7  }
0xad: {  	[dreg:$0x3] =	wrdreg s8  }
0xae: {  	[dreg:$0x4] =	wrdreg $0xC0  }
0xaf: {  	_ =	task [dreg:s11], $0x5FFFF  }
0xb0: {  	[dreg:$0x1] =	wrdreg $0xFFFFFFFF  }
0xb1: {  	[dreg:$0x0] =	wrdreg $0x60  }
0xb2: {  	[dreg:$0x2] =	wrdreg s2  }
0xb3: {  	[dreg:$0x3] =	wrdreg s19  }
0xb4: {  	[dreg:$0x4] =	wrdreg s4  }
0xb5: {  	[dreg:$0x5] =	wrdreg s5  }
0xb6: {  	[dreg:$0x6] =	wrdreg s6  }
0xb7: {  	[dreg:$0x7] =	wrdreg $0xA8000  }
0xb8: {  	[dreg:$0x8] =	wrdreg $0x9  }
0xb9: {  	_ =	task.clear_ibuf [dreg:s11], $0x9FFFF;
	_ =	strace $0x90000046  }
0xba: {  	s29 =	simm.s32 $0x9;
	_ =	strace $0x80000048  }
0xbb: {  	_ =	swait.ge [sflag:s29], $0x1  }
0xbc: {  	[sflag:s29] =	ssyncadd.s32 $0xFFFFFFFF  }
0xbd: {  	_ =	strace $0x90000048  }
0xbe: {  	_ =	sfence  }
0xbf: {  	s30 =	sld [smem:$0x0];
	_ =	sdelay $0x2  }
0xc0: {  	s31 =	sshll.u32 s1, $0xD;
	s1 =	sshrl.u32 s1, $0x2  }
0xc1: {  	s3 =	sand.u32 $0x4000, s31;
	s1 =	sadd.s32 s1, s30  }
0xc2: {  	s0 =	sor.u32 s3, s0;
	s1 =	sshll.u32 s1, $0x11  }
0xc3: {  	s0 =	sor.u32 s1, s0  }
0xc4: {  	s0 =	sadd.s32 $0x8F2B, s0  }
0xc5: {  	[sflag:s0] =	ssyncadd.remote.s32 $0x1  }
0xc6: {  	_ =	sfence.sel $0xFFFF  }
0xc7: {  	[dreg:$0x0] =	wrdreg $0xFFFFFFFF;
	(pc) =	sbr.abs _section_cstart, $3  }
0xc8: {  	[dreg:$0x1] =	wrdreg $0xFFFFFFFF  }
0xc9: {  	_ =	task.clear_ibuf [dreg:s11], $0x2FFFF;
	_ =	strace $0x9FFFFFFF  }
0xca: {  	(tm) =	ssettm $0x7FFFFFFF  }
0xcb: {  	_ =	shalt  }
tec
execute0_lowered:
.L_overlay_start_1:
0x0: {  	(tag) =	ssettag $0x1  }
0x1: {  	s9 =	rddreg [dreg:$0x0]  }
0x2: {  	s10 =	rddreg [dreg:$0x1]  }
0x3: {  	s1 =	rddreg [dreg:$0x2]  }
0x4: {  	s5 =	rddreg [dreg:$0x3]  }
0x5: {  	s11 =	rddreg [dreg:$0x4]  }
0x6: {  	s3 =	rddreg [dreg:$0x5]  }
0x7: {  	s0 =	rddreg [dreg:$0x6];
	s6 =	srdreg.scid  }
0x8: {  	s4 =	simm.s32 $0x0;
	s2 =	stileid.u32;
	s19 =	simm.s32 $0x1  }
0x9: {  	s20 =	simm.s32 $0x2;
	s21 =	simm.s32 $0x1380;
	s12 =	smul.u32 $0x2780, s2  }
0xa: {  	s22 =	simm.s32 $0x2700;
	s23 =	simm.s32 $0x2780;
	s13 =	smul.u32 $0x4F000, s2  }
0xb: {  	s24 =	simm.s32 $0x0;
	s8 =	sand.u32 $0x1, s6;
	s26 =	smul.u32 $0x500, s2  }
0xc: {  	[smem:$0x7FF] =	sst s4;
	s28 =	sshll.u32 s2, $0x6;
	s18 =	smul.u32 $0x2800, s2  }
0xd: {  	s6 =	sshll.u32 s8, $0x4;
	s7 =	ssub.s32 $0x2, s8;
	_ =	strace $0x80000047  }
0xe: {  	s30 =	smul.u32 $0x27800, s8;
	s6 =	sor.u32 s2, s6;
	s14 =	sshrl.u32 s7, $0x1  }
0xf: {  	s25 =	sshrl.u32 s13, $0x2;
	s5 =	sadd.s32 s5, s12;
	s8 =	sadd.s32 s10, s26  }
0x10: {  	s31 =	sshrl.u32 s18, $0x3;
	s18 =	simm.s32 $0x6800;
	s15 =	smul.u32 $0x500, s6  }
0x11: {  	s14 =	ssub.s32 s7, s14;
	s16 =	sadd.s32 s25, s3;
	s17 =	smul.u32 $0x2800, s6  }
0x12: {  	s6 =	sor.u32 $0x1C03, s28;
	s10 =	sadd.s32 s10, s31;
	s12 =	sadd.s32 s12, s30  }
0x13: {  	s10 =	sadd.s32 $0x280, s10;
	s11 =	sadd.s32 s11, s12;
	s12 =	smax.u32 s14, $0x1  }
0x14: {  	s13 =	sshrl.u32 s16, $0x3;
	s14 =	simm.s32 $0x3;
	s29 =	sshrl.u32 s17, $0x3  }
0x15: {  	s16 =	simm.s32 $0x80;
	s7 =	sadd.s32 s9, s15;
	s9 =	sadd.s32 s9, s29  }
0x16: {  	s15 =	simm.s32 $0x1400;
	s17 =	simm.s32 $0x2800;
	s9 =	sadd.s32 $0x280, s9  }
.LBB2_1:
0x17: {  	[spmem:s13], [sflag:s6] =	dma.local [hbm:s5], $0x2780  }
0x18: {  	_ =	swait.ge [sflag:s14], $0x2780  }
0x19: {  	[sflag:s14] =	ssyncset.done $0x0  }
0x1a: {  	[sflag:s14] =	ssyncadd.s32 $0xFFFFD880  }
0x1b: {  	[bflag:$0x0] =	sbarrier.arrive $0xFFFF  }
0x1c: {  	[tilespmem:s4], [sflag:$0x3] =	stream.linear.gather [hbm4b:s7+s4], $0x1400, $0x38;
	[tilespmem:$0x1E400] =	vst v63  }
0x1d: {  	_ =	swait.ge [sflag:s14], $0x1400  }
0x1e: {  	[sflag:s14] =	ssyncset.done $0x0  }
0x1f: {  	[sflag:s14] =	ssyncadd.s32 $0xFFFFEC00  }
0x20: {  	[tilespmem:s15], [sflag:$0x3] =	stream.linear.gather [hbm4b:s8+s4], $0x1400, $0x38;
	[tilespmem:$0x1E400] =	vst v63  }
0x21: {  	_ =	swait.ge [sflag:s14], $0x1400  }
0x22: {  	[sflag:s14] =	ssyncset.done $0x0  }
0x23: {  	[sflag:s14] =	ssyncadd.s32 $0xFFFFEC00  }
0x24: {  	[tilespmem:s17], [sflag:$0x1] =	stream.indirect.gather [hbm4b:s1+s16], $0x80, s4, s16, $0xb8;
	[tilespmem:$0x1E400] =	vst v63  }
0x25: {  	s25 =	simm.s32 $0x80  }
0x26: {  	[tilespmem:s18], [sflag:$0x2] =	stream.indirect.gather [hbm4b:s1+s16], $0x80, s25, s16, $0xb8;
	[tilespmem:$0x1E400] =	vst v63  }
0x27: {  	_ =	swait.ge [sflag:s19], $0x4000  }
0x28: {  	[sflag:s19] =	ssyncset.done $0x0  }
0x29: {  	s29 =	simm.s32 $0x1400;
	[sflag:s19] =	ssyncadd.s32 $0xFFFFC000  }
0x2a: {  	[spmem:s3] =	stream.indirect.scatter.add.f32 [tilespmem:s17], [sflag:$0x3], $0x80, s29, s16, $0xb8;
	[tilespmem:$0x1E400] =	vst v63  }
0x2b: {  	_ =	swait.ge [sflag:s14], $0x4000  }
0x2c: {  	[sflag:s14] =	ssyncset.done $0x0  }
0x2d: {  	s30 =	simm.s32 $0x100;
	[sflag:s14] =	ssyncadd.s32 $0xFFFFC000  }
0x2e: {  	[tilespmem:s17], [sflag:$0x1] =	stream.indirect.gather [hbm4b:s1+s16], $0x80, s30, s16, $0xb8;
	[tilespmem:$0x1E400] =	vst v63  }
0x2f: {  	_ =	swait.ge [sflag:s20], $0x4000  }
0x30: {  	[sflag:s20] =	ssyncset.done $0x0  }
0x31: {  	s31 =	simm.s32 $0x1480;
	[sflag:s20] =	ssyncadd.s32 $0xFFFFC000  }
0x32: {  	[spmem:s3] =	stream.indirect.scatter.add.f32 [tilespmem:s18], [sflag:$0x3], $0x80, s31, s16, $0xb8;
	[tilespmem:$0x1E400] =	vst v63  }
0x33: {  	_ =	swait.ge [sflag:s14], $0x4000  }
0x34: {  	s26 =	simm.s32 $0x800;
	s25 =	simm.s32 $0x100;
	[sflag:s14] =	ssyncset.done $0x0  }
.LBB2_2:
0x35: {  	s28 =	sadd.s32 $0x80, s25  }
0x36: {  	[sflag:s14] =	ssyncadd.s32 $0xFFFFC000;
	s29 =	smov.u32 s26;
	s30 =	sadd.s32 $0x400, s26  }
0x37: {  	[tilespmem:s18], [sflag:$0x2] =	stream.indirect.gather [hbm4b:s1+s16], $0x80, s28, s16, $0xb8;
	[tilespmem:$0x1E400] =	vst v63  }
0x38: {  	p0 =	sne.s32 s26, $0x4800;
	_ =	swait.ge [sflag:s19], $0x4000  }
0x39: {  	[sflag:s19] =	ssyncset.done $0x0  }
0x3a: {  	s26 =	sadd.s32 $0x1400, s25;
	[sflag:s19] =	ssyncadd.s32 $0xFFFFC000  }
0x3b: {  	[spmem:s3] =	stream.indirect.scatter.add.f32 [tilespmem:s17], [sflag:$0x3], $0x80, s26, s16, $0xb8;
	[tilespmem:$0x1E400] =	vst v63  }
0x3c: {  	_ =	swait.ge [sflag:s14], $0x4000  }
0x3d: {  	[sflag:s14] =	ssyncset.done $0x0  }
0x3e: {  	s26 =	sadd.s32 $0x100, s25;
	[sflag:s14] =	ssyncadd.s32 $0xFFFFC000  }
0x3f: {  	[tilespmem:s17], [sflag:$0x1] =	stream.indirect.gather [hbm4b:s1+s16], $0x80, s26, s16, $0xb8;
	[tilespmem:$0x1E400] =	vst v63  }
0x40: {  	_ =	swait.ge [sflag:s20], $0x4000  }
.Ltmp0:
0x41: {  	[sflag:s20] =	ssyncset.done $0x0;
	(pc) =	sbr.rel @p0 .LBB2_2-.Ltmp0, $4  }
0x42: {  	s25 =	sadd.s32 $0x1480, s25;
	[sflag:s20] =	ssyncadd.s32 $0xFFFFC000  }
0x43: {  	[spmem:s3] =	stream.indirect.scatter.add.f32 [tilespmem:s18], [sflag:$0x3], $0x80, s25, s16, $0xb8;
	[tilespmem:$0x1E400] =	vst v63  }
0x44: {  	_ =	swait.ge [sflag:s14], $0x4000  }
0x45: {  	s26 =	smov.u32 s30;
	s25 =	sshra.s32 s29, $0x2;
	[sflag:s14] =	ssyncset.done $0x0  }
0x46: {  	s26 =	sadd.s32 $0x80, s25;
	[sflag:s14] =	ssyncadd.s32 $0xFFFFC000  }
0x47: {  	[tilespmem:s18], [sflag:$0x2] =	stream.indirect.gather [hbm4b:s1+s16], $0x80, s26, s16, $0xb8;
	[tilespmem:$0x1E400] =	vst v63  }
0x48: {  	_ =	swait.ge [sflag:s19], $0x4000  }
0x49: {  	[sflag:s19] =	ssyncset.done $0x0  }
0x4a: {  	s29 =	sadd.s32 $0x1400, s25;
	[sflag:s19] =	ssyncadd.s32 $0xFFFFC000  }
0x4b: {  	[spmem:s3] =	stream.indirect.scatter.add.f32 [tilespmem:s17], [sflag:$0x3], $0x80, s29, s16, $0xb8;
	[tilespmem:$0x1E400] =	vst v63  }
0x4c: {  	_ =	swait.ge [sflag:s14], $0x4000  }
0x4d: {  	[sflag:s14] =	ssyncset.done $0x0  }
0x4e: {  	s30 =	sadd.s32 $0x100, s25;
	[sflag:s14] =	ssyncadd.s32 $0xFFFFC000  }
0x4f: {  	[tilespmem:s17], [sflag:$0x1] =	stream.indirect.gather [hbm4b:s1+s16], $0x80, s30, s16, $0xb8;
	[tilespmem:$0x1E400] =	vst v63  }
0x50: {  	_ =	swait.ge [sflag:s20], $0x4000  }
0x51: {  	[sflag:s20] =	ssyncset.done $0x0  }
0x52: {  	s31 =	sadd.s32 $0x1480, s25;
	[sflag:s20] =	ssyncadd.s32 $0xFFFFC000  }
0x53: {  	[spmem:s3] =	stream.indirect.scatter.add.f32 [tilespmem:s18], [sflag:$0x3], $0x80, s31, s16, $0xb8;
	[tilespmem:$0x1E400] =	vst v63  }
0x54: {  	_ =	swait.ge [sflag:s14], $0x4000  }
0x55: {  	[sflag:s14] =	ssyncset.done $0x0  }
0x56: {  	[sflag:s14] =	ssyncadd.s32 $0xFFFFC000  }
0x57: {  	[tilespmem:s18], [sflag:$0x2] =	stream.indirect.gather [hbm4b:s1+s16], $0x80, s21, s16, $0xb8;
	[tilespmem:$0x1E400] =	vst v63  }
0x58: {  	_ =	swait.ge [sflag:s19], $0x4000  }
0x59: {  	[sflag:s19] =	ssyncset.done $0x0  }
0x5a: {  	[sflag:s19] =	ssyncadd.s32 $0xFFFFC000  }
0x5b: {  	[spmem:s3] =	stream.indirect.scatter.add.f32 [tilespmem:s17], [sflag:$0x3], $0x80, s22, s16, $0xb8;
	[tilespmem:$0x1E400] =	vst v63  }
0x5c: {  	_ =	swait.ge [sflag:s14], $0x4000  }
0x5d: {  	[sflag:s14] =	ssyncset.done $0x0  }
0x5e: {  	[sflag:s14] =	ssyncadd.s32 $0xFFFFC000  }
0x5f: {  	_ =	swait.ge [sflag:s20], $0x4000  }
0x60: {  	[sflag:s20] =	ssyncset.done $0x0  }
0x61: {  	[sflag:s20] =	ssyncadd.s32 $0xFFFFC000  }
0x62: {  	[spmem:s3] =	stream.indirect.scatter.add.f32 [tilespmem:s18], [sflag:$0x3], $0x80, s23, s16, $0xb8;
	[tilespmem:$0x1E400] =	vst v63  }
0x63: {  	_ =	swait.ge [sflag:s14], $0x4000  }
0x64: {  	[sflag:s14] =	ssyncset.done $0x0  }
0x65: {  	s26 =	simm.s32 $0x0;
	[sflag:s14] =	ssyncadd.s32 $0xFFFFC000  }
0x66: {  	[tilespmem:s26], [sflag:$0x3] =	stream.linear.gather [hbm4b:s9+s26], $0x1400, $0x38;
	[tilespmem:$0x1E400] =	vst v63  }
0x67: {  	_ =	swait.ge [sflag:s14], $0x1400  }
0x68: {  	[sflag:s14] =	ssyncset.done $0x0  }
0x69: {  	[sflag:s14] =	ssyncadd.s32 $0xFFFFEC00  }
0x6a: {  	[tilespmem:s15], [sflag:$0x3] =	stream.linear.gather [hbm4b:s10+s26], $0x1400, $0x38;
	[tilespmem:$0x1E400] =	vst v63  }
0x6b: {  	_ =	swait.ge [sflag:s14], $0x1400  }
0x6c: {  	[sflag:s14] =	ssyncset.done $0x0  }
0x6d: {  	[sflag:s14] =	ssyncadd.s32 $0xFFFFEC00  }
0x6e: {  	[tilespmem:s17], [sflag:$0x1] =	stream.indirect.gather [hbm4b:s1+s16], $0x80, s26, s16, $0xb8;
	[tilespmem:$0x1E400] =	vst v63  }
0x6f: {  	s28 =	simm.s32 $0x80  }
0x70: {  	[tilespmem:s18], [sflag:$0x2] =	stream.indirect.gather [hbm4b:s1+s16], $0x80, s28, s16, $0xb8;
	[tilespmem:$0x1E400] =	vst v63  }
0x71: {  	_ =	swait.ge [sflag:s19], $0x4000  }
0x72: {  	[sflag:s19] =	ssyncset.done $0x0  }
0x73: {  	s29 =	simm.s32 $0x1400;
	[sflag:s19] =	ssyncadd.s32 $0xFFFFC000  }
0x74: {  	[spmem:s3] =	stream.indirect.scatter.add.f32 [tilespmem:s17], [sflag:$0x3], $0x80, s29, s16, $0xb8;
	[tilespmem:$0x1E400] =	vst v63  }
0x75: {  	_ =	swait.ge [sflag:s14], $0x4000  }
0x76: {  	[sflag:s14] =	ssyncset.done $0x0  }
0x77: {  	s30 =	simm.s32 $0x100;
	[sflag:s14] =	ssyncadd.s32 $0xFFFFC000  }
0x78: {  	[tilespmem:s17], [sflag:$0x1] =	stream.indirect.gather [hbm4b:s1+s16], $0x80, s30, s16, $0xb8;
	[tilespmem:$0x1E400] =	vst v63  }
0x79: {  	_ =	swait.ge [sflag:s20], $0x4000  }
0x7a: {  	[sflag:s20] =	ssyncset.done $0x0  }
0x7b: {  	s31 =	simm.s32 $0x1480;
	[sflag:s20] =	ssyncadd.s32 $0xFFFFC000  }
0x7c: {  	[spmem:s3] =	stream.indirect.scatter.add.f32 [tilespmem:s18], [sflag:$0x3], $0x80, s31, s16, $0xb8;
	[tilespmem:$0x1E400] =	vst v63  }
0x7d: {  	_ =	swait.ge [sflag:s14], $0x4000  }
0x7e: {  	s25 =	simm.s32 $0x100;
	s26 =	simm.s32 $0x800;
	[sflag:s14] =	ssyncset.done $0x0  }
.LBB2_4:
0x7f: {  	s28 =	sadd.s32 $0x80, s25  }
0x80: {  	[sflag:s14] =	ssyncadd.s32 $0xFFFFC000;
	s29 =	smov.u32 s26;
	s30 =	sadd.s32 $0x400, s26  }
0x81: {  	[tilespmem:s18], [sflag:$0x2] =	stream.indirect.gather [hbm4b:s1+s16], $0x80, s28, s16, $0xb8;
	[tilespmem:$0x1E400] =	vst v63  }
0x82: {  	p0 =	sne.s32 s26, $0x4800;
	_ =	swait.ge [sflag:s19], $0x4000  }
0x83: {  	[sflag:s19] =	ssyncset.done $0x0  }
0x84: {  	s26 =	sadd.s32 $0x1400, s25;
	[sflag:s19] =	ssyncadd.s32 $0xFFFFC000  }
0x85: {  	[spmem:s3] =	stream.indirect.scatter.add.f32 [tilespmem:s17], [sflag:$0x3], $0x80, s26, s16, $0xb8;
	[tilespmem:$0x1E400] =	vst v63  }
0x86: {  	_ =	swait.ge [sflag:s14], $0x4000  }
0x87: {  	[sflag:s14] =	ssyncset.done $0x0  }
0x88: {  	s26 =	sadd.s32 $0x100, s25;
	[sflag:s14] =	ssyncadd.s32 $0xFFFFC000  }
0x89: {  	[tilespmem:s17], [sflag:$0x1] =	stream.indirect.gather [hbm4b:s1+s16], $0x80, s26, s16, $0xb8;
	[tilespmem:$0x1E400] =	vst v63  }
0x8a: {  	_ =	swait.ge [sflag:s20], $0x4000  }
.Ltmp1:
0x8b: {  	[sflag:s20] =	ssyncset.done $0x0;
	(pc) =	sbr.rel @p0 .LBB2_4-.Ltmp1, $4  }
0x8c: {  	s25 =	sadd.s32 $0x1480, s25;
	[sflag:s20] =	ssyncadd.s32 $0xFFFFC000  }
0x8d: {  	[spmem:s3] =	stream.indirect.scatter.add.f32 [tilespmem:s18], [sflag:$0x3], $0x80, s25, s16, $0xb8;
	[tilespmem:$0x1E400] =	vst v63  }
0x8e: {  	_ =	swait.ge [sflag:s14], $0x4000  }
0x8f: {  	s26 =	smov.u32 s30;
	s25 =	sshra.s32 s29, $0x2;
	[sflag:s14] =	ssyncset.done $0x0  }
0x90: {  	s26 =	sadd.s32 $0x80, s25;
	[sflag:s14] =	ssyncadd.s32 $0xFFFFC000  }
0x91: {  	[tilespmem:s18], [sflag:$0x2] =	stream.indirect.gather [hbm4b:s1+s16], $0x80, s26, s16, $0xb8;
	[tilespmem:$0x1E400] =	vst v63  }
0x92: {  	_ =	swait.ge [sflag:s19], $0x4000  }
0x93: {  	[sflag:s19] =	ssyncset.done $0x0  }
0x94: {  	s29 =	sadd.s32 $0x1400, s25;
	[sflag:s19] =	ssyncadd.s32 $0xFFFFC000  }
0x95: {  	[spmem:s3] =	stream.indirect.scatter.add.f32 [tilespmem:s17], [sflag:$0x3], $0x80, s29, s16, $0xb8;
	[tilespmem:$0x1E400] =	vst v63  }
0x96: {  	_ =	swait.ge [sflag:s14], $0x4000  }
0x97: {  	[sflag:s14] =	ssyncset.done $0x0  }
0x98: {  	s30 =	sadd.s32 $0x100, s25;
	[sflag:s14] =	ssyncadd.s32 $0xFFFFC000  }
0x99: {  	[tilespmem:s17], [sflag:$0x1] =	stream.indirect.gather [hbm4b:s1+s16], $0x80, s30, s16, $0xb8;
	[tilespmem:$0x1E400] =	vst v63  }
0x9a: {  	_ =	swait.ge [sflag:s20], $0x4000  }
0x9b: {  	[sflag:s20] =	ssyncset.done $0x0  }
0x9c: {  	s31 =	sadd.s32 $0x1480, s25;
	[sflag:s20] =	ssyncadd.s32 $0xFFFFC000  }
0x9d: {  	[spmem:s3] =	stream.indirect.scatter.add.f32 [tilespmem:s18], [sflag:$0x3], $0x80, s31, s16, $0xb8;
	[tilespmem:$0x1E400] =	vst v63  }
0x9e: {  	_ =	swait.ge [sflag:s14], $0x4000  }
0x9f: {  	[sflag:s14] =	ssyncset.done $0x0  }
0xa0: {  	[sflag:s14] =	ssyncadd.s32 $0xFFFFC000  }
0xa1: {  	[tilespmem:s18], [sflag:$0x2] =	stream.indirect.gather [hbm4b:s1+s16], $0x80, s21, s16, $0xb8;
	[tilespmem:$0x1E400] =	vst v63  }
0xa2: {  	_ =	swait.ge [sflag:s19], $0x4000  }
0xa3: {  	[sflag:s19] =	ssyncset.done $0x0  }
0xa4: {  	[sflag:s19] =	ssyncadd.s32 $0xFFFFC000  }
0xa5: {  	[spmem:s3] =	stream.indirect.scatter.add.f32 [tilespmem:s17], [sflag:$0x3], $0x80, s22, s16, $0xb8;
	[tilespmem:$0x1E400] =	vst v63  }
0xa6: {  	_ =	swait.ge [sflag:s14], $0x4000  }
0xa7: {  	[sflag:s14] =	ssyncset.done $0x0  }
0xa8: {  	[sflag:s14] =	ssyncadd.s32 $0xFFFFC000  }
0xa9: {  	_ =	swait.ge [sflag:s20], $0x4000  }
0xaa: {  	[sflag:s20] =	ssyncset.done $0x0  }
0xab: {  	[sflag:s20] =	ssyncadd.s32 $0xFFFFC000  }
0xac: {  	[spmem:s3] =	stream.indirect.scatter.add.f32 [tilespmem:s18], [sflag:$0x3], $0x80, s23, s16, $0xb8;
	[tilespmem:$0x1E400] =	vst v63  }
0xad: {  	_ =	swait.ge [sflag:s14], $0x4000  }
0xae: {  	s24 =	sadd.s32 $0x1, s24;
	[sflag:s14] =	ssyncset.done $0x0  }
0xaf: {  	p0 =	sne.s32 s24, s12;
	[sflag:s14] =	ssyncadd.s32 $0xFFFFC000  }
.Ltmp2:
0xb0: {  	[bflag:$0x0] =	sbarrier.arrive $0xFFFF;
	(pc) =	sbr.rel @p0 .LBB2_1-.Ltmp2, $4  }
0xb1: {  	[hbm:s11], [sflag:s6] =	dma.local [spmem:s13], $0x2780  }
0xb2: {  	_ =	swait.ge [sflag:s14], $0x2780  }
0xb3: {  	[sflag:s14] =	ssyncset.done $0x0  }
0xb4: {  	[sflag:s14] =	ssyncadd.s32 $0xFFFFD880  }
0xb5: {  	_ =	sfence.sel $0x180000  }
0xb6: {  	[bflag:$0x0] =	sbarrier.arrive $0xFFFF  }
0xb7: {  	p0 =	sne.s32 s2, $0x0;
	_ =	strace $0x90000047  }
0xb8: {  	s0 =	sadd.s32 @!p0 $0x100000, s0;
	[bflag:$0x2] =	sbarrier.arrive $0xFFFF  }
0xb9: {  	[sflag:s0] =	ssyncadd.tile.s32 @!p0 $0x1;
	_ =	shalt  }
.Lfunc_end2:
_tile_overlayer_lowered:
.L_overlay_start_2:
0xba: {  	(tag) =	ssettag $0x2  }
0xbb: {  	s0 =	rddreg [dreg:$0x0];
	s2 =	stileid.u32  }
0xbc: {  	s1 =	rddreg [dreg:$0x1];
	p0 =	sne.s32 s2, $0x0  }
0xbd: {  	s3 =	rddreg [dreg:$0x2];
	[bflag:$0x3] =	sbarrier.arrive $0xFFFF;
	s2 =	simm.s32 @!p0 $0x1C03  }
0xbe: {  	[timem:s3], [sflag:s2] =	dma.local @!p0 [hbm:s0], s1  }
0xbf: {  	s0 =	simm.s32 @!p0 $0x3  }
0xc0: {  	_ =	swait.ge @!p0 [sflag:s0], s1  }
0xc1: {  	s1 =	ssub.s32 @!p0 $0x0, s1;
	[sflag:s0] =	ssyncset.done @!p0 $0x0  }
0xc2: {  	[sflag:s0] =	ssyncadd.s32 @!p0 s1  }
0xc3: {  	[bflag:$0x3] =	sbarrier.arrive $0xFFFF  }
0xc4: {  	_ =	shalt  }

</sc_bundles>
